<compile_context>
chip_gen: v7x
topology: tpu7x:2x2x1
jax: 0.10.2.dev20260603
libtpu: 0.0.44.dev20260713+nightly
codegen_flags: <defaults>
</compile_context>

<pallas_src>
import functools

import jax
import jax.numpy as jnp
from jax import lax
from jax.experimental import pallas as pl
from jax.experimental.pallas import tpu as pltpu
from jax.experimental.pallas import tpu_sc as plsc

_K = 1024
_C = 256
_N = 8192
_BN = 2048
_GRID = _N // _BN

_NS = 16
_IPW = _N // _NS


def _vq_body(xf_ref, cb_ref, out_ref, idx_ref, loss_ref):
    i = pl.program_id(0)
    xb = xf_ref[...]
    cb = cb_ref[...]
    x_sq = jnp.sum(xb ** 2, axis=-1, keepdims=True)
    cb_sq = jnp.sum(cb ** 2, axis=-1)
    xc = jax.lax.dot_general(xb, cb, (((1,), (1,)), ((), ())))
    d2 = x_sq + cb_sq[None, :] - 2.0 * xc
    m = jnp.min(d2, axis=1, keepdims=True)
    col = jax.lax.broadcasted_iota(jnp.int32, d2.shape, 1)
    idx = jnp.min(jnp.where(d2 == m, col, _K), axis=1)
    idx_ref[...] = idx.reshape(idx_ref.shape)
    onehot = (col == idx[:, None]).astype(jnp.float32)
    q = jax.lax.dot_general(onehot, cb, (((1,), (0,)), ((), ())))
    out_ref[...] = xb + (q - xb)

    @pl.when(i == 0)
    def _init():
        loss_ref[...] = jnp.zeros_like(loss_ref)

    loss_ref[...] += jnp.sum(m).reshape(1, 1)


def _vq_call(xf, codebook):
    return pl.pallas_call(
        _vq_body,
        grid=(_GRID,),
        in_specs=[
            pl.BlockSpec((_BN, _C), lambda i: (i, 0)),
            pl.BlockSpec((_K, _C), lambda i: (0, 0)),
        ],
        out_specs=[
            pl.BlockSpec((_BN, _C), lambda i: (i, 0)),
            pl.BlockSpec((1, 1, _BN), lambda i: (i, 0, 0)),
            pl.BlockSpec((1, 1), lambda i: (0, 0)),
        ],
        out_shape=[
            jax.ShapeDtypeStruct((_N, _C), jnp.float32),
            jax.ShapeDtypeStruct((_GRID, 1, _BN), jnp.int32),
            jax.ShapeDtypeStruct((1, 1), jnp.float32),
        ],
    )(xf, codebook)


def _sc_hist_body(idx_hbm, usage_hbm, idx_v, ones_v, hist_v, out_v, shared):
    cid = lax.axis_index("c")
    sid = lax.axis_index("s")

    @pl.when(cid == 0)
    def _core0():
        pltpu.sync_copy(idx_hbm.at[pl.ds(sid * _IPW, _IPW)], idx_v)

        @pl.when(sid == 0)
        def _zero():
            for k in range(_K // 16):
                hist_v[pl.ds(k * 16, 16)] = jnp.zeros((16,), jnp.int32)
            pltpu.sync_copy(hist_v, shared)

        for k in range(_IPW // 16):
            ones_v[pl.ds(k * 16, 16)] = jnp.ones((16,), jnp.int32)
        plsc.subcore_barrier()
        pltpu.sync_copy(ones_v, shared.at[idx_v], add=True)
        plsc.subcore_barrier()

        @pl.when(sid == 0)
        def _usage():
            pltpu.sync_copy(shared, hist_v)
            one_v = jnp.ones((16,), jnp.int32)
            zero_v = jnp.zeros((16,), jnp.int32)
            acc = zero_v
            for k in range(_K // 16):
                acc = acc + jnp.where(hist_v[pl.ds(k * 16, 16)] == zero_v,
                                      one_v, zero_v)
            out_v[...] = acc.astype(jnp.float32)
            pltpu.sync_copy(out_v, usage_hbm)


def _sc_hist(idx_flat):
    mesh = plsc.VectorSubcoreMesh(core_axis_name="c", subcore_axis_name="s")
    return pl.kernel(
        _sc_hist_body,
        mesh=mesh,
        out_type=jax.ShapeDtypeStruct((16,), jnp.float32),
        scratch_types=[
            pltpu.VMEM((_IPW,), jnp.int32),
            pltpu.VMEM((_IPW,), jnp.int32),
            pltpu.VMEM((_K,), jnp.int32),
            pltpu.VMEM((16,), jnp.float32),
            pltpu.VMEM_SHARED((_K,), jnp.int32),
        ],
    )(idx_flat)


def kernel(x, codebook):
    x = x.astype(jnp.float32)
    B, C, H, W = x.shape
    xf = jnp.transpose(x.reshape(B, C, H * W), (0, 2, 1)).reshape(_N, C)
    q_st, idx3, loss_sum = _vq_call(xf, codebook)
    usage_vec = _sc_hist(idx3.reshape(_N))
    embed_index = idx3.reshape(B, H, W)
    quantize = jnp.transpose(q_st.reshape(B, H * W, C), (0, 2, 1)).reshape(B, C, H, W)
    loss = (loss_sum / float(_N * _C)).reshape(1)
    code_usage = jnp.sum(usage_vec) / _K
    return (quantize, embed_index, loss, code_usage)

# --- scband reference (transcript-rebuilt; emitter-appended) ---
"""Pipeline reference for scband-vector-quantizer-61521111547967 (READ-ONLY COPY).

The authoritative reference and input builder live on the scoring server;
editing this copy changes nothing except your own understanding.
"""

import jax, jax.numpy as jnp
import numpy as np

NUM_EMBEDDINGS = 1024
EMBEDDING_DIM = 256
COMMITMENT_WEIGHT = 1.0


def setup_inputs(seed: int = 0) -> dict:
    key = jax.random.key(seed)
    k1, k2 = jax.random.split(key)
    x = jax.random.normal(k1, (8, 256, 32, 32), dtype=jnp.float32)
    # nn.Embedding weight initialized uniform(-1/K, 1/K)
    codebook = jax.random.uniform(k2, (NUM_EMBEDDINGS, EMBEDDING_DIM), minval=-1.0 / NUM_EMBEDDINGS, maxval=1.0 / NUM_EMBEDDINGS, dtype=jnp.float32)
    return {"x": x, "codebook": codebook}


def reference(x, codebook):
    x = x.astype(jnp.float32)
    B, C, H, W = x.shape
    K = codebook.shape[0]
    # rearrange b c h w -> b (h w) c
    xf = jnp.transpose(x.reshape(B, C, H * W), (0, 2, 1))
    # cdist p=2 -> argmin over squared distances (same argmin)
    x_sq = jnp.sum(xf ** 2, axis=-1, keepdims=True)
    cb_sq = jnp.sum(codebook ** 2, axis=-1)
    d2 = x_sq + cb_sq[None, None, :] - 2.0 * jnp.einsum('bnc,kc->bnk', xf, codebook)
    embed_idx = jnp.argmin(d2, axis=-1)
    # one_hot @ weight  ==  gather rows of codebook
    quantized = jnp.take(codebook, embed_idx, axis=0)
    counts = jnp.bincount(embed_idx.reshape(-1), minlength=K, length=K)
    zero_cnt = jnp.sum(counts == 0)
    code_usage = zero_cnt.astype(jnp.float32) / K
    # training=True path (torch module default): straight-through estimator
    quant_st = xf + jax.lax.stop_gradient(quantized - xf)
    commitment_loss = jnp.mean((jax.lax.stop_gradient(quant_st) - xf) ** 2)
    loss = jnp.array([0.0], dtype=jnp.float32) + commitment_loss * COMMITMENT_WEIGHT
    # rearrange b (h w) c -> b c h w
    quantize = jnp.transpose(quant_st, (0, 2, 1)).reshape(B, C, H, W)
    embed_index = embed_idx.reshape(B, H, W)
    return (quantize, embed_index, loss, code_usage)

if __name__ == "__main__":
    import jax
    _d = setup_inputs()
    print(jax.jit(kernel)(*tuple(_d.values())))

</pallas_src>

<mosaic_0001>
#map = affine_map<(d0, d1) -> (0)>
module attributes {stable_mosaic.version = 14 : i64} {
  func.func @_sc_hist_body(%arg0: i32, %arg1: i32, %arg2: memref<8192xi32, #tpu.memory_space<hbm>>, %arg3: memref<16xf32, #tpu.memory_space<hbm>>, %arg4: memref<512xi32, #tpu.memory_space<vmem>>, %arg5: memref<512xi32, #tpu.memory_space<vmem>>, %arg6: memref<1024xi32, #tpu.memory_space<vmem>>, %arg7: memref<16xf32, #tpu.memory_space<vmem>>, %arg8: memref<1024xi32, #tpu.memory_space<vmem_shared>>) attributes {dimension_semantics = [#tpu.dimension_semantics<core_parallel>, #tpu.dimension_semantics<subcore_parallel>], iteration_bounds = array<i64: 2, 16>, scalar_prefetch = 0 : i64, scratch_operands = 5 : i64, tpu.core_type = #tpu.core_type<sc_vector_subcore>, window_params = [{transform_indices = #map}, {transform_indices = #map}]} {
    %eq3A = arith.constant 0 : i32
    %eq3A_0 = arith.cmpi eq, %arg0, %eq3A : i32
    %convert_element_type3A = arith.extui %eq3A_0 : i1 to i32
    %cond3A = arith.constant 0 : i32
    %cond3A_1 = arith.cmpi ne, %convert_element_type3A, %cond3A : i32
    scf.if %cond3A_1 {
      %mul3A = arith.constant 512 : i32
      %mul3A_2 = arith.muli %arg1, %mul3A : i32
      "tpu.region"() ({
        %run_scoped3A = tpu.sem_alloc : memref<!tpu.dma_semaphore, #tpu.memory_space<semaphore_mem>>
        %dma_start3A = tpu.memref_slice %arg2[%mul3A_2] : memref<8192xi32, #tpu.memory_space<hbm>> -> memref<512xi32, #tpu.memory_space<hbm>>
        %dma_start3A_204 = tpu.memref_slice %arg2[%mul3A_2] : memref<8192xi32, #tpu.memory_space<hbm>> -> memref<512xi32, #tpu.memory_space<hbm>>
        tpu.enqueue_dma source(%dma_start3A_204 : memref<512xi32, #tpu.memory_space<hbm>>) target(%arg4 : memref<512xi32, #tpu.memory_space<vmem>>) target_semaphore(%run_scoped3A : memref<!tpu.dma_semaphore, #tpu.memory_space<semaphore_mem>>)
        %dma_wait3A = tpu.memref_slice %arg2[%mul3A_2] : memref<8192xi32, #tpu.memory_space<hbm>> -> memref<512xi32, #tpu.memory_space<hbm>>
        %dma_wait3A_205 = tpu.memref_slice %arg2[%mul3A_2] : memref<8192xi32, #tpu.memory_space<hbm>> -> memref<512xi32, #tpu.memory_space<hbm>>
        tpu.wait_dma2 semaphore(%run_scoped3A : memref<!tpu.dma_semaphore, #tpu.memory_space<semaphore_mem>>) src(%dma_wait3A_205 : memref<512xi32, #tpu.memory_space<hbm>>) dst(%arg4 : memref<512xi32, #tpu.memory_space<vmem>>)
        tpu.yield
      }) : () -> ()
      %eq3A_3 = arith.constant 0 : i32
      %eq3A_4 = arith.cmpi eq, %arg1, %eq3A_3 : i32
      %convert_element_type3A_5 = arith.extui %eq3A_4 : i1 to i32
      %cond3A_6 = arith.constant 0 : i32
      %cond3A_7 = arith.cmpi ne, %convert_element_type3A_5, %cond3A_6 : i32
      scf.if %cond3A_7 {
        %broadcast_in_dim3A_204 = arith.constant 0 : i32
        %broadcast_in_dim3A_205 = vector.broadcast %broadcast_in_dim3A_204 : i32 to vector<16xi32>
        %swap3A_206 = arith.constant 0 : index
        %swap3A_207 = tpu.vector_load %arg6[%swap3A_206] {strides = array<i32>} : memref<1024xi32, #tpu.memory_space<vmem>>, vector<16xi32>,
        %swap3A_208 = vector.shape_cast %swap3A_207 : vector<16xi32> to vector<16xi32>
        %swap3A_209 = vector.shape_cast %broadcast_in_dim3A_205 : vector<16xi32> to vector<16xi32>
        tpu.vector_store %arg6[%swap3A_206], %swap3A_209 {strides = array<i32>} : memref<1024xi32, #tpu.memory_space<vmem>>, vector<16xi32>,
        %broadcast_in_dim3A_210 = arith.constant 0 : i32
        %broadcast_in_dim3A_211 = vector.broadcast %broadcast_in_dim3A_210 : i32 to vector<16xi32>
        %swap3A_212 = arith.constant 16 : index
        %swap3A_213 = tpu.vector_load %arg6[%swap3A_212] {strides = array<i32>} : memref<1024xi32, #tpu.memory_space<vmem>>, vector<16xi32>,
        %swap3A_214 = vector.shape_cast %swap3A_213 : vector<16xi32> to vector<16xi32>
        %swap3A_215 = vector.shape_cast %broadcast_in_dim3A_211 : vector<16xi32> to vector<16xi32>
        tpu.vector_store %arg6[%swap3A_212], %swap3A_215 {strides = array<i32>} : memref<1024xi32, #tpu.memory_space<vmem>>, vector<16xi32>,
        %broadcast_in_dim3A_216 = arith.constant 0 : i32
        %broadcast_in_dim3A_217 = vector.broadcast %broadcast_in_dim3A_216 : i32 to vector<16xi32>
        %swap3A_218 = arith.constant 32 : index
        %swap3A_219 = tpu.vector_load %arg6[%swap3A_218] {strides = array<i32>} : memref<1024xi32, #tpu.memory_space<vmem>>, vector<16xi32>,
        %swap3A_220 = vector.shape_cast %swap3A_219 : vector<16xi32> to vector<16xi32>
        %swap3A_221 = vector.shape_cast %broadcast_in_dim3A_217 : vector<16xi32> to vector<16xi32>
        tpu.vector_store %arg6[%swap3A_218], %swap3A_221 {strides = array<i32>} : memref<1024xi32, #tpu.memory_space<vmem>>, vector<16xi32>,
        %broadcast_in_dim3A_222 = arith.constant 0 : i32
        %broadcast_in_dim3A_223 = vector.broadcast %broadcast_in_dim3A_222 : i32 to vector<16xi32>
        %swap3A_224 = arith.constant 48 : index
        %swap3A_225 = tpu.vector_load %arg6[%swap3A_224] {strides = array<i32>} : memref<1024xi32, #tpu.memory_space<vmem>>, vector<16xi32>,
        %swap3A_226 = vector.shape_cast %swap3A_225 : vector<16xi32> to vector<16xi32>
        %swap3A_227 = vector.shape_cast %broadcast_in_dim3A_223 : vector<16xi32> to vector<16xi32>
        tpu.vector_store %arg6[%swap3A_224], %swap3A_227 {strides = array<i32>} : memref<1024xi32, #tpu.memory_space<vmem>>, vector<16xi32>,
        %broadcast_in_dim3A_228 = arith.constant 0 : i32
        %broadcast_in_dim3A_229 = vector.broadcast %broadcast_in_dim3A_228 : i32 to vector<16xi32>
        %swap3A_230 = arith.constant 64 : index
        %swap3A_231 = tpu.vector_load %arg6[%swap3A_230] {strides = array<i32>} : memref<1024xi32, #tpu.memory_space<vmem>>, vector<16xi32>,
        %swap3A_232 = vector.shape_cast %swap3A_231 : vector<16xi32> to vector<16xi32>
        %swap3A_233 = vector.shape_cast %broadcast_in_dim3A_229 : vector<16xi32> to vector<16xi32>
        tpu.vector_store %arg6[%swap3A_230], %swap3A_233 {strides = array<i32>} : memref<1024xi32, #tpu.memory_space<vmem>>, vector<16xi32>,
        %broadcast_in_dim3A_234 = arith.constant 0 : i32
        %broadcast_in_dim3A_235 = vector.broadcast %broadcast_in_dim3A_234 : i32 to vector<16xi32>
        %swap3A_236 = arith.constant 80 : index
        %swap3A_237 = tpu.vector_load %arg6[%swap3A_236] {strides = array<i32>} : memref<1024xi32, #tpu.memory_space<vmem>>, vector<16xi32>,
        %swap3A_238 = vector.shape_cast %swap3A_237 : vector<16xi32> to vector<16xi32>
        %swap3A_239 = vector.shape_cast %broadcast_in_dim3A_235 : vector<16xi32> to vector<16xi32>
        tpu.vector_store %arg6[%swap3A_236], %swap3A_239 {strides = array<i32>} : memref<1024xi32, #tpu.memory_space<vmem>>, vector<16xi32>,
        %broadcast_in_dim3A_240 = arith.constant 0 : i32
        %broadcast_in_dim3A_241 = vector.broadcast %broadcast_in_dim3A_240 : i32 to vector<16xi32>
        %swap3A_242 = arith.constant 96 : index
        %swap3A_243 = tpu.vector_load %arg6[%swap3A_242] {strides = array<i32>} : memref<1024xi32, #tpu.memory_space<vmem>>, vector<16xi32>,
        %swap3A_244 = vector.shape_cast %swap3A_243 : vector<16xi32> to vector<16xi32>
        %swap3A_245 = vector.shape_cast %broadcast_in_dim3A_241 : vector<16xi32> to vector<16xi32>
        tpu.vector_store %arg6[%swap3A_242], %swap3A_245 {strides = array<i32>} : memref<1024xi32, #tpu.memory_space<vmem>>, vector<16xi32>,
        %broadcast_in_dim3A_246 = arith.constant 0 : i32
        %broadcast_in_dim3A_247 = vector.broadcast %broadcast_in_dim3A_246 : i32 to vector<16xi32>
        %swap3A_248 = arith.constant 112 : index
        %swap3A_249 = tpu.vector_load %arg6[%swap3A_248] {strides = array<i32>} : memref<1024xi32, #tpu.memory_space<vmem>>, vector<16xi32>,
        %swap3A_250 = vector.shape_cast %swap3A_249 : vector<16xi32> to vector<16xi32>
        %swap3A_251 = vector.shape_cast %broadcast_in_dim3A_247 : vector<16xi32> to vector<16xi32>
        tpu.vector_store %arg6[%swap3A_248], %swap3A_251 {strides = array<i32>} : memref<1024xi32, #tpu.memory_space<vmem>>, vector<16xi32>,
        %broadcast_in_dim3A_252 = arith.constant 0 : i32
        %broadcast_in_dim3A_253 = vector.broadcast %broadcast_in_dim3A_252 : i32 to vector<16xi32>
        %swap3A_254 = arith.constant 128 : index
        %swap3A_255 = tpu.vector_load %arg6[%swap3A_254] {strides = array<i32>} : memref<1024xi32, #tpu.memory_space<vmem>>, vector<16xi32>,
        %swap3A_256 = vector.shape_cast %swap3A_255 : vector<16xi32> to vector<16xi32>
        %swap3A_257 = vector.shape_cast %broadcast_in_dim3A_253 : vector<16xi32> to vector<16xi32>
        tpu.vector_store %arg6[%swap3A_254], %swap3A_257 {strides = array<i32>} : memref<1024xi32, #tpu.memory_space<vmem>>, vector<16xi32>,
        %broadcast_in_dim3A_258 = arith.constant 0 : i32
        %broadcast_in_dim3A_259 = vector.broadcast %broadcast_in_dim3A_258 : i32 to vector<16xi32>
        %swap3A_260 = arith.constant 144 : index
        %swap3A_261 = tpu.vector_load %arg6[%swap3A_260] {strides = array<i32>} : memref<1024xi32, #tpu.memory_space<vmem>>, vector<16xi32>,
        %swap3A_262 = vector.shape_cast %swap3A_261 : vector<16xi32> to vector<16xi32>
        %swap3A_263 = vector.shape_cast %broadcast_in_dim3A_259 : vector<16xi32> to vector<16xi32>
        tpu.vector_store %arg6[%swap3A_260], %swap3A_263 {strides = array<i32>} : memref<1024xi32, #tpu.memory_space<vmem>>, vector<16xi32>,
        %broadcast_in_dim3A_264 = arith.constant 0 : i32
        %broadcast_in_dim3A_265 = vector.broadcast %broadcast_in_dim3A_264 : i32 to vector<16xi32>
        %swap3A_266 = arith.constant 160 : index
        %swap3A_267 = tpu.vector_load %arg6[%swap3A_266] {strides = array<i32>} : memref<1024xi32, #tpu.memory_space<vmem>>, vector<16xi32>,
        %swap3A_268 = vector.shape_cast %swap3A_267 : vector<16xi32> to vector<16xi32>
        %swap3A_269 = vector.shape_cast %broadcast_in_dim3A_265 : vector<16xi32> to vector<16xi32>
        tpu.vector_store %arg6[%swap3A_266], %swap3A_269 {strides = array<i32>} : memref<1024xi32, #tpu.memory_space<vmem>>, vector<16xi32>,
        %broadcast_in_dim3A_270 = arith.constant 0 : i32
        %broadcast_in_dim3A_271 = vector.broadcast %broadcast_in_dim3A_270 : i32 to vector<16xi32>
        %swap3A_272 = arith.constant 176 : index
        %swap3A_273 = tpu.vector_load %arg6[%swap3A_272] {strides = array<i32>} : memref<1024xi32, #tpu.memory_space<vmem>>, vector<16xi32>,
        %swap3A_274 = vector.shape_cast %swap3A_273 : vector<16xi32> to vector<16xi32>
        %swap3A_275 = vector.shape_cast %broadcast_in_dim3A_271 : vector<16xi32> to vector<16xi32>
        tpu.vector_store %arg6[%swap3A_272], %swap3A_275 {strides = array<i32>} : memref<1024xi32, #tpu.memory_space<vmem>>, vector<16xi32>,
        %broadcast_in_dim3A_276 = arith.constant 0 : i32
        %broadcast_in_dim3A_277 = vector.broadcast %broadcast_in_dim3A_276 : i32 to vector<16xi32>
        %swap3A_278 = arith.constant 192 : index
        %swap3A_279 = tpu.vector_load %arg6[%swap3A_278] {strides = array<i32>} : memref<1024xi32, #tpu.memory_space<vmem>>, vector<16xi32>,
        %swap3A_280 = vector.shape_cast %swap3A_279 : vector<16xi32> to vector<16xi32>
        %swap3A_281 = vector.shape_cast %broadcast_in_dim3A_277 : vector<16xi32> to vector<16xi32>
        tpu.vector_store %arg6[%swap3A_278], %swap3A_281 {strides = array<i32>} : memref<1024xi32, #tpu.memory_space<vmem>>, vector<16xi32>,
        %broadcast_in_dim3A_282 = arith.constant 0 : i32
        %broadcast_in_dim3A_283 = vector.broadcast %broadcast_in_dim3A_282 : i32 to vector<16xi32>
        %swap3A_284 = arith.constant 208 : index
        %swap3A_285 = tpu.vector_load %arg6[%swap3A_284] {strides = array<i32>} : memref<1024xi32, #tpu.memory_space<vmem>>, vector<16xi32>,
        %swap3A_286 = vector.shape_cast %swap3A_285 : vector<16xi32> to vector<16xi32>
        %swap3A_287 = vector.shape_cast %broadcast_in_dim3A_283 : vector<16xi32> to vector<16xi32>
        tpu.vector_store %arg6[%swap3A_284], %swap3A_287 {strides = array<i32>} : memref<1024xi32, #tpu.memory_space<vmem>>, vector<16xi32>,
        %broadcast_in_dim3A_288 = arith.constant 0 : i32
        %broadcast_in_dim3A_289 = vector.broadcast %broadcast_in_dim3A_288 : i32 to vector<16xi32>
        %swap3A_290 = arith.constant 224 : index
        %swap3A_291 = tpu.vector_load %arg6[%swap3A_290] {strides = array<i32>} : memref<1024xi32, #tpu.memory_space<vmem>>, vector<16xi32>,
        %swap3A_292 = vector.shape_cast %swap3A_291 : vector<16xi32> to vector<16xi32>
        %swap3A_293 = vector.shape_cast %broadcast_in_dim3A_289 : vector<16xi32> to vector<16xi32>
        tpu.vector_store %arg6[%swap3A_290], %swap3A_293 {strides = array<i32>} : memref<1024xi32, #tpu.memory_space<vmem>>, vector<16xi32>,
        %broadcast_in_dim3A_294 = arith.constant 0 : i32
        %broadcast_in_dim3A_295 = vector.broadcast %broadcast_in_dim3A_294 : i32 to vector<16xi32>
        %swap3A_296 = arith.constant 240 : index
        %swap3A_297 = tpu.vector_load %arg6[%swap3A_296] {strides = array<i32>} : memref<1024xi32, #tpu.memory_space<vmem>>, vector<16xi32>,
        %swap3A_298 = vector.shape_cast %swap3A_297 : vector<16xi32> to vector<16xi32>
        %swap3A_299 = vector.shape_cast %broadcast_in_dim3A_295 : vector<16xi32> to vector<16xi32>
        tpu.vector_store %arg6[%swap3A_296], %swap3A_299 {strides = array<i32>} : memref<1024xi32, #tpu.memory_space<vmem>>, vector<16xi32>,
        %broadcast_in_dim3A_300 = arith.constant 0 : i32
        %broadcast_in_dim3A_301 = vector.broadcast %broadcast_in_dim3A_300 : i32 to vector<16xi32>
        %swap3A_302 = arith.constant 256 : index
        %swap3A_303 = tpu.vector_load %arg6[%swap3A_302] {strides = array<i32>} : memref<1024xi32, #tpu.memory_space<vmem>>, vector<16xi32>,
        %swap3A_304 = vector.shape_cast %swap3A_303 : vector<16xi32> to vector<16xi32>
        %swap3A_305 = vector.shape_cast %broadcast_in_dim3A_301 : vector<16xi32> to vector<16xi32>
        tpu.vector_store %arg6[%swap3A_302], %swap3A_305 {strides = array<i32>} : memref<1024xi32, #tpu.memory_space<vmem>>, vector<16xi32>,
        %broadcast_in_dim3A_306 = arith.constant 0 : i32
        %broadcast_in_dim3A_307 = vector.broadcast %broadcast_in_dim3A_306 : i32 to vector<16xi32>
        %swap3A_308 = arith.constant 272 : index
        %swap3A_309 = tpu.vector_load %arg6[%swap3A_308] {strides = array<i32>} : memref<1024xi32, #tpu.memory_space<vmem>>, vector<16xi32>,
        %swap3A_310 = vector.shape_cast %swap3A_309 : vector<16xi32> to vector<16xi32>
        %swap3A_311 = vector.shape_cast %broadcast_in_dim3A_307 : vector<16xi32> to vector<16xi32>
        tpu.vector_store %arg6[%swap3A_308], %swap3A_311 {strides = array<i32>} : memref<1024xi32, #tpu.memory_space<vmem>>, vector<16xi32>,
        %broadcast_in_dim3A_312 = arith.constant 0 : i32
        %broadcast_in_dim3A_313 = vector.broadcast %broadcast_in_dim3A_312 : i32 to vector<16xi32>
        %swap3A_314 = arith.constant 288 : index
        %swap3A_315 = tpu.vector_load %arg6[%swap3A_314] {strides = array<i32>} : memref<1024xi32, #tpu.memory_space<vmem>>, vector<16xi32>,
        %swap3A_316 = vector.shape_cast %swap3A_315 : vector<16xi32> to vector<16xi32>
        %swap3A_317 = vector.shape_cast %broadcast_in_dim3A_313 : vector<16xi32> to vector<16xi32>
        tpu.vector_store %arg6[%swap3A_314], %swap3A_317 {strides = array<i32>} : memref<1024xi32, #tpu.memory_space<vmem>>, vector<16xi32>,
        %broadcast_in_dim3A_318 = arith.constant 0 : i32
        %broadcast_in_dim3A_319 = vector.broadcast %broadcast_in_dim3A_318 : i32 to vector<16xi32>
        %swap3A_320 = arith.constant 304 : index
        %swap3A_321 = tpu.vector_load %arg6[%swap3A_320] {strides = array<i32>} : memref<1024xi32, #tpu.memory_space<vmem>>, vector<16xi32>,
        %swap3A_322 = vector.shape_cast %swap3A_321 : vector<16xi32> to vector<16xi32>
        %swap3A_323 = vector.shape_cast %broadcast_in_dim3A_319 : vector<16xi32> to vector<16xi32>
        tpu.vector_store %arg6[%swap3A_320], %swap3A_323 {strides = array<i32>} : memref<1024xi32, #tpu.memory_space<vmem>>, vector<16xi32>,
        %broadcast_in_dim3A_324 = arith.constant 0 : i32
        %broadcast_in_dim3A_325 = vector.broadcast %broadcast_in_dim3A_324 : i32 to vector<16xi32>
        %swap3A_326 = arith.constant 320 : index
        %swap3A_327 = tpu.vector_load %arg6[%swap3A_326] {strides = array<i32>} : memref<1024xi32, #tpu.memory_space<vmem>>, vector<16xi32>,
        %swap3A_328 = vector.shape_cast %swap3A_327 : vector<16xi32> to vector<16xi32>
        %swap3A_329 = vector.shape_cast %broadcast_in_dim3A_325 : vector<16xi32> to vector<16xi32>
        tpu.vector_store %arg6[%swap3A_326], %swap3A_329 {strides = array<i32>} : memref<1024xi32, #tpu.memory_space<vmem>>, vector<16xi32>,
        %broadcast_in_dim3A_330 = arith.constant 0 : i32
        %broadcast_in_dim3A_331 = vector.broadcast %broadcast_in_dim3A_330 : i32 to vector<16xi32>
        %swap3A_332 = arith.constant 336 : index
        %swap3A_333 = tpu.vector_load %arg6[%swap3A_332] {strides = array<i32>} : memref<1024xi32, #tpu.memory_space<vmem>>, vector<16xi32>,
        %swap3A_334 = vector.shape_cast %swap3A_333 : vector<16xi32> to vector<16xi32>
        %swap3A_335 = vector.shape_cast %broadcast_in_dim3A_331 : vector<16xi32> to vector<16xi32>
        tpu.vector_store %arg6[%swap3A_332], %swap3A_335 {strides = array<i32>} : memref<1024xi32, #tpu.memory_space<vmem>>, vector<16xi32>,
        %broadcast_in_dim3A_336 = arith.constant 0 : i32
        %broadcast_in_dim3A_337 = vector.broadcast %broadcast_in_dim3A_336 : i32 to vector<16xi32>
        %swap3A_338 = arith.constant 352 : index
        %swap3A_339 = tpu.vector_load %arg6[%swap3A_338] {strides = array<i32>} : memref<1024xi32, #tpu.memory_space<vmem>>, vector<16xi32>,
        %swap3A_340 = vector.shape_cast %swap3A_339 : vector<16xi32> to vector<16xi32>
        %swap3A_341 = vector.shape_cast %broadcast_in_dim3A_337 : vector<16xi32> to vector<16xi32>
        tpu.vector_store %arg6[%swap3A_338], %swap3A_341 {strides = array<i32>} : memref<1024xi32, #tpu.memory_space<vmem>>, vector<16xi32>,
        %broadcast_in_dim3A_342 = arith.constant 0 : i32
        %broadcast_in_dim3A_343 = vector.broadcast %broadcast_in_dim3A_342 : i32 to vector<16xi32>
        %swap3A_344 = arith.constant 368 : index
        %swap3A_345 = tpu.vector_load %arg6[%swap3A_344] {strides = array<i32>} : memref<1024xi32, #tpu.memory_space<vmem>>, vector<16xi32>,
        %swap3A_346 = vector.shape_cast %swap3A_345 : vector<16xi32> to vector<16xi32>
        %swap3A_347 = vector.shape_cast %broadcast_in_dim3A_343 : vector<16xi32> to vector<16xi32>
        tpu.vector_store %arg6[%swap3A_344], %swap3A_347 {strides = array<i32>} : memref<1024xi32, #tpu.memory_space<vmem>>, vector<16xi32>,
        %broadcast_in_dim3A_348 = arith.constant 0 : i32
        %broadcast_in_dim3A_349 = vector.broadcast %broadcast_in_dim3A_348 : i32 to vector<16xi32>
        %swap3A_350 = arith.constant 384 : index
        %swap3A_351 = tpu.vector_load %arg6[%swap3A_350] {strides = array<i32>} : memref<1024xi32, #tpu.memory_space<vmem>>, vector<16xi32>,
        %swap3A_352 = vector.shape_cast %swap3A_351 : vector<16xi32> to vector<16xi32>
        %swap3A_353 = vector.shape_cast %broadcast_in_dim3A_349 : vector<16xi32> to vector<16xi32>
        tpu.vector_store %arg6[%swap3A_350], %swap3A_353 {strides = array<i32>} : memref<1024xi32, #tpu.memory_space<vmem>>, vector<16xi32>,
        %broadcast_in_dim3A_354 = arith.constant 0 : i32
        %broadcast_in_dim3A_355 = vector.broadcast %broadcast_in_dim3A_354 : i32 to vector<16xi32>
        %swap3A_356 = arith.constant 400 : index
        %swap3A_357 = tpu.vector_load %arg6[%swap3A_356] {strides = array<i32>} : memref<1024xi32, #tpu.memory_space<vmem>>, vector<16xi32>,
        %swap3A_358 = vector.shape_cast %swap3A_357 : vector<16xi32> to vector<16xi32>
        %swap3A_359 = vector.shape_cast %broadcast_in_dim3A_355 : vector<16xi32> to vector<16xi32>
        tpu.vector_store %arg6[%swap3A_356], %swap3A_359 {strides = array<i32>} : memref<1024xi32, #tpu.memory_space<vmem>>, vector<16xi32>,
        %broadcast_in_dim3A_360 = arith.constant 0 : i32
        %broadcast_in_dim3A_361 = vector.broadcast %broadcast_in_dim3A_360 : i32 to vector<16xi32>
        %swap3A_362 = arith.constant 416 : index
        %swap3A_363 = tpu.vector_load %arg6[%swap3A_362] {strides = array<i32>} : memref<1024xi32, #tpu.memory_space<vmem>>, vector<16xi32>,
        %swap3A_364 = vector.shape_cast %swap3A_363 : vector<16xi32> to vector<16xi32>
        %swap3A_365 = vector.shape_cast %broadcast_in_dim3A_361 : vector<16xi32> to vector<16xi32>
        tpu.vector_store %arg6[%swap3A_362], %swap3A_365 {strides = array<i32>} : memref<1024xi32, #tpu.memory_space<vmem>>, vector<16xi32>,
        %broadcast_in_dim3A_366 = arith.constant 0 : i32
        %broadcast_in_dim3A_367 = vector.broadcast %broadcast_in_dim3A_366 : i32 to vector<16xi32>
        %swap3A_368 = arith.constant 432 : index
        %swap3A_369 = tpu.vector_load %arg6[%swap3A_368] {strides = array<i32>} : memref<1024xi32, #tpu.memory_space<vmem>>, vector<16xi32>,
        %swap3A_370 = vector.shape_cast %swap3A_369 : vector<16xi32> to vector<16xi32>
        %swap3A_371 = vector.shape_cast %broadcast_in_dim3A_367 : vector<16xi32> to vector<16xi32>
        tpu.vector_store %arg6[%swap3A_368], %swap3A_371 {strides = array<i32>} : memref<1024xi32, #tpu.memory_space<vmem>>, vector<16xi32>,
        %broadcast_in_dim3A_372 = arith.constant 0 : i32
        %broadcast_in_dim3A_373 = vector.broadcast %broadcast_in_dim3A_372 : i32 to vector<16xi32>
        %swap3A_374 = arith.constant 448 : index
        %swap3A_375 = tpu.vector_load %arg6[%swap3A_374] {strides = array<i32>} : memref<1024xi32, #tpu.memory_space<vmem>>, vector<16xi32>,
        %swap3A_376 = vector.shape_cast %swap3A_375 : vector<16xi32> to vector<16xi32>
        %swap3A_377 = vector.shape_cast %broadcast_in_dim3A_373 : vector<16xi32> to vector<16xi32>
        tpu.vector_store %arg6[%swap3A_374], %swap3A_377 {strides = array<i32>} : memref<1024xi32, #tpu.memory_space<vmem>>, vector<16xi32>,
        %broadcast_in_dim3A_378 = arith.constant 0 : i32
        %broadcast_in_dim3A_379 = vector.broadcast %broadcast_in_dim3A_378 : i32 to vector<16xi32>
        %swap3A_380 = arith.constant 464 : index
        %swap3A_381 = tpu.vector_load %arg6[%swap3A_380] {strides = array<i32>} : memref<1024xi32, #tpu.memory_space<vmem>>, vector<16xi32>,
        %swap3A_382 = vector.shape_cast %swap3A_381 : vector<16xi32> to vector<16xi32>
        %swap3A_383 = vector.shape_cast %broadcast_in_dim3A_379 : vector<16xi32> to vector<16xi32>
        tpu.vector_store %arg6[%swap3A_380], %swap3A_383 {strides = array<i32>} : memref<1024xi32, #tpu.memory_space<vmem>>, vector<16xi32>,
        %broadcast_in_dim3A_384 = arith.constant 0 : i32
        %broadcast_in_dim3A_385 = vector.broadcast %broadcast_in_dim3A_384 : i32 to vector<16xi32>
        %swap3A_386 = arith.constant 480 : index
        %swap3A_387 = tpu.vector_load %arg6[%swap3A_386] {strides = array<i32>} : memref<1024xi32, #tpu.memory_space<vmem>>, vector<16xi32>,
        %swap3A_388 = vector.shape_cast %swap3A_387 : vector<16xi32> to vector<16xi32>
        %swap3A_389 = vector.shape_cast %broadcast_in_dim3A_385 : vector<16xi32> to vector<16xi32>
        tpu.vector_store %arg6[%swap3A_386], %swap3A_389 {strides = array<i32>} : memref<1024xi32, #tpu.memory_space<vmem>>, vector<16xi32>,
        %broadcast_in_dim3A_390 = arith.constant 0 : i32
        %broadcast_in_dim3A_391 = vector.broadcast %broadcast_in_dim3A_390 : i32 to vector<16xi32>
        %swap3A_392 = arith.constant 496 : index
        %swap3A_393 = tpu.vector_load %arg6[%swap3A_392] {strides = array<i32>} : memref<1024xi32, #tpu.memory_space<vmem>>, vector<16xi32>,
        %swap3A_394 = vector.shape_cast %swap3A_393 : vector<16xi32> to vector<16xi32>
        %swap3A_395 = vector.shape_cast %broadcast_in_dim3A_391 : vector<16xi32> to vector<16xi32>
        tpu.vector_store %arg6[%swap3A_392], %swap3A_395 {strides = array<i32>} : memref<1024xi32, #tpu.memory_space<vmem>>, vector<16xi32>,
        %broadcast_in_dim3A_396 = arith.constant 0 : i32
        %broadcast_in_dim3A_397 = vector.broadcast %broadcast_in_dim3A_396 : i32 to vector<16xi32>
        %swap3A_398 = arith.constant 512 : index
        %swap3A_399 = tpu.vector_load %arg6[%swap3A_398] {strides = array<i32>} : memref<1024xi32, #tpu.memory_space<vmem>>, vector<16xi32>,
        %swap3A_400 = vector.shape_cast %swap3A_399 : vector<16xi32> to vector<16xi32>
        %swap3A_401 = vector.shape_cast %broadcast_in_dim3A_397 : vector<16xi32> to vector<16xi32>
        tpu.vector_store %arg6[%swap3A_398], %swap3A_401 {strides = array<i32>} : memref<1024xi32, #tpu.memory_space<vmem>>, vector<16xi32>,
        %broadcast_in_dim3A_402 = arith.constant 0 : i32
        %broadcast_in_dim3A_403 = vector.broadcast %broadcast_in_dim3A_402 : i32 to vector<16xi32>
        %swap3A_404 = arith.constant 528 : index
        %swap3A_405 = tpu.vector_load %arg6[%swap3A_404] {strides = array<i32>} : memref<1024xi32, #tpu.memory_space<vmem>>, vector<16xi32>,
        %swap3A_406 = vector.shape_cast %swap3A_405 : vector<16xi32> to vector<16xi32>
        %swap3A_407 = vector.shape_cast %broadcast_in_dim3A_403 : vector<16xi32> to vector<16xi32>
        tpu.vector_store %arg6[%swap3A_404], %swap3A_407 {strides = array<i32>} : memref<1024xi32, #tpu.memory_space<vmem>>, vector<16xi32>,
        %broadcast_in_dim3A_408 = arith.constant 0 : i32
        %broadcast_in_dim3A_409 = vector.broadcast %broadcast_in_dim3A_408 : i32 to vector<16xi32>
        %swap3A_410 = arith.constant 544 : index
        %swap3A_411 = tpu.vector_load %arg6[%swap3A_410] {strides = array<i32>} : memref<1024xi32, #tpu.memory_space<vmem>>, vector<16xi32>,
        %swap3A_412 = vector.shape_cast %swap3A_411 : vector<16xi32> to vector<16xi32>
        %swap3A_413 = vector.shape_cast %broadcast_in_dim3A_409 : vector<16xi32> to vector<16xi32>
        tpu.vector_store %arg6[%swap3A_410], %swap3A_413 {strides = array<i32>} : memref<1024xi32, #tpu.memory_space<vmem>>, vector<16xi32>,
        %broadcast_in_dim3A_414 = arith.constant 0 : i32
        %broadcast_in_dim3A_415 = vector.broadcast %broadcast_in_dim3A_414 : i32 to vector<16xi32>
        %swap3A_416 = arith.constant 560 : index
        %swap3A_417 = tpu.vector_load %arg6[%swap3A_416] {strides = array<i32>} : memref<1024xi32, #tpu.memory_space<vmem>>, vector<16xi32>,
        %swap3A_418 = vector.shape_cast %swap3A_417 : vector<16xi32> to vector<16xi32>
        %swap3A_419 = vector.shape_cast %broadcast_in_dim3A_415 : vector<16xi32> to vector<16xi32>
        tpu.vector_store %arg6[%swap3A_416], %swap3A_419 {strides = array<i32>} : memref<1024xi32, #tpu.memory_space<vmem>>, vector<16xi32>,
        %broadcast_in_dim3A_420 = arith.constant 0 : i32
        %broadcast_in_dim3A_421 = vector.broadcast %broadcast_in_dim3A_420 : i32 to vector<16xi32>
        %swap3A_422 = arith.constant 576 : index
        %swap3A_423 = tpu.vector_load %arg6[%swap3A_422] {strides = array<i32>} : memref<1024xi32, #tpu.memory_space<vmem>>, vector<16xi32>,
        %swap3A_424 = vector.shape_cast %swap3A_423 : vector<16xi32> to vector<16xi32>
        %swap3A_425 = vector.shape_cast %broadcast_in_dim3A_421 : vector<16xi32> to vector<16xi32>
        tpu.vector_store %arg6[%swap3A_422], %swap3A_425 {strides = array<i32>} : memref<1024xi32, #tpu.memory_space<vmem>>, vector<16xi32>,
        %broadcast_in_dim3A_426 = arith.constant 0 : i32
        %broadcast_in_dim3A_427 = vector.broadcast %broadcast_in_dim3A_426 : i32 to vector<16xi32>
        %swap3A_428 = arith.constant 592 : index
        %swap3A_429 = tpu.vector_load %arg6[%swap3A_428] {strides = array<i32>} : memref<1024xi32, #tpu.memory_space<vmem>>, vector<16xi32>,
        %swap3A_430 = vector.shape_cast %swap3A_429 : vector<16xi32> to vector<16xi32>
        %swap3A_431 = vector.shape_cast %broadcast_in_dim3A_427 : vector<16xi32> to vector<16xi32>
        tpu.vector_store %arg6[%swap3A_428], %swap3A_431 {strides = array<i32>} : memref<1024xi32, #tpu.memory_space<vmem>>, vector<16xi32>,
        %broadcast_in_dim3A_432 = arith.constant 0 : i32
        %broadcast_in_dim3A_433 = vector.broadcast %broadcast_in_dim3A_432 : i32 to vector<16xi32>
        %swap3A_434 = arith.constant 608 : index
        %swap3A_435 = tpu.vector_load %arg6[%swap3A_434] {strides = array<i32>} : memref<1024xi32, #tpu.memory_space<vmem>>, vector<16xi32>,
        %swap3A_436 = vector.shape_cast %swap3A_435 : vector<16xi32> to vector<16xi32>
        %swap3A_437 = vector.shape_cast %broadcast_in_dim3A_433 : vector<16xi32> to vector<16xi32>
        tpu.vector_store %arg6[%swap3A_434], %swap3A_437 {strides = array<i32>} : memref<1024xi32, #tpu.memory_space<vmem>>, vector<16xi32>,
        %broadcast_in_dim3A_438 = arith.constant 0 : i32
        %broadcast_in_dim3A_439 = vector.broadcast %broadcast_in_dim3A_438 : i32 to vector<16xi32>
        %swap3A_440 = arith.constant 624 : index
        %swap3A_441 = tpu.vector_load %arg6[%swap3A_440] {strides = array<i32>} : memref<1024xi32, #tpu.memory_space<vmem>>, vector<16xi32>,
        %swap3A_442 = vector.shape_cast %swap3A_441 : vector<16xi32> to vector<16xi32>
        %swap3A_443 = vector.shape_cast %broadcast_in_dim3A_439 : vector<16xi32> to vector<16xi32>
        tpu.vector_store %arg6[%swap3A_440], %swap3A_443 {strides = array<i32>} : memref<1024xi32, #tpu.memory_space<vmem>>, vector<16xi32>,
        %broadcast_in_dim3A_444 = arith.constant 0 : i32
        %broadcast_in_dim3A_445 = vector.broadcast %broadcast_in_dim3A_444 : i32 to vector<16xi32>
        %swap3A_446 = arith.constant 640 : index
        %swap3A_447 = tpu.vector_load %arg6[%swap3A_446] {strides = array<i32>} : memref<1024xi32, #tpu.memory_space<vmem>>, vector<16xi32>,
        %swap3A_448 = vector.shape_cast %swap3A_447 : vector<16xi32> to vector<16xi32>
        %swap3A_449 = vector.shape_cast %broadcast_in_dim3A_445 : vector<16xi32> to vector<16xi32>
        tpu.vector_store %arg6[%swap3A_446], %swap3A_449 {strides = array<i32>} : memref<1024xi32, #tpu.memory_space<vmem>>, vector<16xi32>,
        %broadcast_in_dim3A_450 = arith.constant 0 : i32
        %broadcast_in_dim3A_451 = vector.broadcast %broadcast_in_dim3A_450 : i32 to vector<16xi32>
        %swap3A_452 = arith.constant 656 : index
        %swap3A_453 = tpu.vector_load %arg6[%swap3A_452] {strides = array<i32>} : memref<1024xi32, #tpu.memory_space<vmem>>, vector<16xi32>,
        %swap3A_454 = vector.shape_cast %swap3A_453 : vector<16xi32> to vector<16xi32>
        %swap3A_455 = vector.shape_cast %broadcast_in_dim3A_451 : vector<16xi32> to vector<16xi32>
        tpu.vector_store %arg6[%swap3A_452], %swap3A_455 {strides = array<i32>} : memref<1024xi32, #tpu.memory_space<vmem>>, vector<16xi32>,
        %broadcast_in_dim3A_456 = arith.constant 0 : i32
        %broadcast_in_dim3A_457 = vector.broadcast %broadcast_in_dim3A_456 : i32 to vector<16xi32>
        %swap3A_458 = arith.constant 672 : index
        %swap3A_459 = tpu.vector_load %arg6[%swap3A_458] {strides = array<i32>} : memref<1024xi32, #tpu.memory_space<vmem>>, vector<16xi32>,
        %swap3A_460 = vector.shape_cast %swap3A_459 : vector<16xi32> to vector<16xi32>
        %swap3A_461 = vector.shape_cast %broadcast_in_dim3A_457 : vector<16xi32> to vector<16xi32>
        tpu.vector_store %arg6[%swap3A_458], %swap3A_461 {strides = array<i32>} : memref<1024xi32, #tpu.memory_space<vmem>>, vector<16xi32>,
        %broadcast_in_dim3A_462 = arith.constant 0 : i32
        %broadcast_in_dim3A_463 = vector.broadcast %broadcast_in_dim3A_462 : i32 to vector<16xi32>
        %swap3A_464 = arith.constant 688 : index
        %swap3A_465 = tpu.vector_load %arg6[%swap3A_464] {strides = array<i32>} : memref<1024xi32, #tpu.memory_space<vmem>>, vector<16xi32>,
        %swap3A_466 = vector.shape_cast %swap3A_465 : vector<16xi32> to vector<16xi32>
        %swap3A_467 = vector.shape_cast %broadcast_in_dim3A_463 : vector<16xi32> to vector<16xi32>
        tpu.vector_store %arg6[%swap3A_464], %swap3A_467 {strides = array<i32>} : memref<1024xi32, #tpu.memory_space<vmem>>, vector<16xi32>,
        %broadcast_in_dim3A_468 = arith.constant 0 : i32
        %broadcast_in_dim3A_469 = vector.broadcast %broadcast_in_dim3A_468 : i32 to vector<16xi32>
        %swap3A_470 = arith.constant 704 : index
        %swap3A_471 = tpu.vector_load %arg6[%swap3A_470] {strides = array<i32>} : memref<1024xi32, #tpu.memory_space<vmem>>, vector<16xi32>,
        %swap3A_472 = vector.shape_cast %swap3A_471 : vector<16xi32> to vector<16xi32>
        %swap3A_473 = vector.shape_cast %broadcast_in_dim3A_469 : vector<16xi32> to vector<16xi32>
        tpu.vector_store %arg6[%swap3A_470], %swap3A_473 {strides = array<i32>} : memref<1024xi32, #tpu.memory_space<vmem>>, vector<16xi32>,
        %broadcast_in_dim3A_474 = arith.constant 0 : i32
        %broadcast_in_dim3A_475 = vector.broadcast %broadcast_in_dim3A_474 : i32 to vector<16xi32>
        %swap3A_476 = arith.constant 720 : index
        %swap3A_477 = tpu.vector_load %arg6[%swap3A_476] {strides = array<i32>} : memref<1024xi32, #tpu.memory_space<vmem>>, vector<16xi32>,
        %swap3A_478 = vector.shape_cast %swap3A_477 : vector<16xi32> to vector<16xi32>
        %swap3A_479 = vector.shape_cast %broadcast_in_dim3A_475 : vector<16xi32> to vector<16xi32>
        tpu.vector_store %arg6[%swap3A_476], %swap3A_479 {strides = array<i32>} : memref<1024xi32, #tpu.memory_space<vmem>>, vector<16xi32>,
        %broadcast_in_dim3A_480 = arith.constant 0 : i32
        %broadcast_in_dim3A_481 = vector.broadcast %broadcast_in_dim3A_480 : i32 to vector<16xi32>
        %swap3A_482 = arith.constant 736 : index
        %swap3A_483 = tpu.vector_load %arg6[%swap3A_482] {strides = array<i32>} : memref<1024xi32, #tpu.memory_space<vmem>>, vector<16xi32>,
        %swap3A_484 = vector.shape_cast %swap3A_483 : vector<16xi32> to vector<16xi32>
        %swap3A_485 = vector.shape_cast %broadcast_in_dim3A_481 : vector<16xi32> to vector<16xi32>
        tpu.vector_store %arg6[%swap3A_482], %swap3A_485 {strides = array<i32>} : memref<1024xi32, #tpu.memory_space<vmem>>, vector<16xi32>,
        %broadcast_in_dim3A_486 = arith.constant 0 : i32
        %broadcast_in_dim3A_487 = vector.broadcast %broadcast_in_dim3A_486 : i32 to vector<16xi32>
        %swap3A_488 = arith.constant 752 : index
        %swap3A_489 = tpu.vector_load %arg6[%swap3A_488] {strides = array<i32>} : memref<1024xi32, #tpu.memory_space<vmem>>, vector<16xi32>,
        %swap3A_490 = vector.shape_cast %swap3A_489 : vector<16xi32> to vector<16xi32>
        %swap3A_491 = vector.shape_cast %broadcast_in_dim3A_487 : vector<16xi32> to vector<16xi32>
        tpu.vector_store %arg6[%swap3A_488], %swap3A_491 {strides = array<i32>} : memref<1024xi32, #tpu.memory_space<vmem>>, vector<16xi32>,
        %broadcast_in_dim3A_492 = arith.constant 0 : i32
        %broadcast_in_dim3A_493 = vector.broadcast %broadcast_in_dim3A_492 : i32 to vector<16xi32>
        %swap3A_494 = arith.constant 768 : index
        %swap3A_495 = tpu.vector_load %arg6[%swap3A_494] {strides = array<i32>} : memref<1024xi32, #tpu.memory_space<vmem>>, vector<16xi32>,
        %swap3A_496 = vector.shape_cast %swap3A_495 : vector<16xi32> to vector<16xi32>
        %swap3A_497 = vector.shape_cast %broadcast_in_dim3A_493 : vector<16xi32> to vector<16xi32>
        tpu.vector_store %arg6[%swap3A_494], %swap3A_497 {strides = array<i32>} : memref<1024xi32, #tpu.memory_space<vmem>>, vector<16xi32>,
        %broadcast_in_dim3A_498 = arith.constant 0 : i32
        %broadcast_in_dim3A_499 = vector.broadcast %broadcast_in_dim3A_498 : i32 to vector<16xi32>
        %swap3A_500 = arith.constant 784 : index
        %swap3A_501 = tpu.vector_load %arg6[%swap3A_500] {strides = array<i32>} : memref<1024xi32, #tpu.memory_space<vmem>>, vector<16xi32>,
        %swap3A_502 = vector.shape_cast %swap3A_501 : vector<16xi32> to vector<16xi32>
        %swap3A_503 = vector.shape_cast %broadcast_in_dim3A_499 : vector<16xi32> to vector<16xi32>
        tpu.vector_store %arg6[%swap3A_500], %swap3A_503 {strides = array<i32>} : memref<1024xi32, #tpu.memory_space<vmem>>, vector<16xi32>,
        %broadcast_in_dim3A_504 = arith.constant 0 : i32
        %broadcast_in_dim3A_505 = vector.broadcast %broadcast_in_dim3A_504 : i32 to vector<16xi32>
        %swap3A_506 = arith.constant 800 : index
        %swap3A_507 = tpu.vector_load %arg6[%swap3A_506] {strides = array<i32>} : memref<1024xi32, #tpu.memory_space<vmem>>, vector<16xi32>,
        %swap3A_508 = vector.shape_cast %swap3A_507 : vector<16xi32> to vector<16xi32>
        %swap3A_509 = vector.shape_cast %broadcast_in_dim3A_505 : vector<16xi32> to vector<16xi32>
        tpu.vector_store %arg6[%swap3A_506], %swap3A_509 {strides = array<i32>} : memref<1024xi32, #tpu.memory_space<vmem>>, vector<16xi32>,
        %broadcast_in_dim3A_510 = arith.constant 0 : i32
        %broadcast_in_dim3A_511 = vector.broadcast %broadcast_in_dim3A_510 : i32 to vector<16xi32>
        %swap3A_512 = arith.constant 816 : index
        %swap3A_513 = tpu.vector_load %arg6[%swap3A_512] {strides = array<i32>} : memref<1024xi32, #tpu.memory_space<vmem>>, vector<16xi32>,
        %swap3A_514 = vector.shape_cast %swap3A_513 : vector<16xi32> to vector<16xi32>
        %swap3A_515 = vector.shape_cast %broadcast_in_dim3A_511 : vector<16xi32> to vector<16xi32>
        tpu.vector_store %arg6[%swap3A_512], %swap3A_515 {strides = array<i32>} : memref<1024xi32, #tpu.memory_space<vmem>>, vector<16xi32>,
        %broadcast_in_dim3A_516 = arith.constant 0 : i32
        %broadcast_in_dim3A_517 = vector.broadcast %broadcast_in_dim3A_516 : i32 to vector<16xi32>
        %swap3A_518 = arith.constant 832 : index
        %swap3A_519 = tpu.vector_load %arg6[%swap3A_518] {strides = array<i32>} : memref<1024xi32, #tpu.memory_space<vmem>>, vector<16xi32>,
        %swap3A_520 = vector.shape_cast %swap3A_519 : vector<16xi32> to vector<16xi32>
        %swap3A_521 = vector.shape_cast %broadcast_in_dim3A_517 : vector<16xi32> to vector<16xi32>
        tpu.vector_store %arg6[%swap3A_518], %swap3A_521 {strides = array<i32>} : memref<1024xi32, #tpu.memory_space<vmem>>, vector<16xi32>,
        %broadcast_in_dim3A_522 = arith.constant 0 : i32
        %broadcast_in_dim3A_523 = vector.broadcast %broadcast_in_dim3A_522 : i32 to vector<16xi32>
        %swap3A_524 = arith.constant 848 : index
        %swap3A_525 = tpu.vector_load %arg6[%swap3A_524] {strides = array<i32>} : memref<1024xi32, #tpu.memory_space<vmem>>, vector<16xi32>,
        %swap3A_526 = vector.shape_cast %swap3A_525 : vector<16xi32> to vector<16xi32>
        %swap3A_527 = vector.shape_cast %broadcast_in_dim3A_523 : vector<16xi32> to vector<16xi32>
        tpu.vector_store %arg6[%swap3A_524], %swap3A_527 {strides = array<i32>} : memref<1024xi32, #tpu.memory_space<vmem>>, vector<16xi32>,
        %broadcast_in_dim3A_528 = arith.constant 0 : i32
        %broadcast_in_dim3A_529 = vector.broadcast %broadcast_in_dim3A_528 : i32 to vector<16xi32>
        %swap3A_530 = arith.constant 864 : index
        %swap3A_531 = tpu.vector_load %arg6[%swap3A_530] {strides = array<i32>} : memref<1024xi32, #tpu.memory_space<vmem>>, vector<16xi32>,
        %swap3A_532 = vector.shape_cast %swap3A_531 : vector<16xi32> to vector<16xi32>
        %swap3A_533 = vector.shape_cast %broadcast_in_dim3A_529 : vector<16xi32> to vector<16xi32>
        tpu.vector_store %arg6[%swap3A_530], %swap3A_533 {strides = array<i32>} : memref<1024xi32, #tpu.memory_space<vmem>>, vector<16xi32>,
        %broadcast_in_dim3A_534 = arith.constant 0 : i32
        %broadcast_in_dim3A_535 = vector.broadcast %broadcast_in_dim3A_534 : i32 to vector<16xi32>
        %swap3A_536 = arith.constant 880 : index
        %swap3A_537 = tpu.vector_load %arg6[%swap3A_536] {strides = array<i32>} : memref<1024xi32, #tpu.memory_space<vmem>>, vector<16xi32>,
        %swap3A_538 = vector.shape_cast %swap3A_537 : vector<16xi32> to vector<16xi32>
        %swap3A_539 = vector.shape_cast %broadcast_in_dim3A_535 : vector<16xi32> to vector<16xi32>
        tpu.vector_store %arg6[%swap3A_536], %swap3A_539 {strides = array<i32>} : memref<1024xi32, #tpu.memory_space<vmem>>, vector<16xi32>,
        %broadcast_in_dim3A_540 = arith.constant 0 : i32
        %broadcast_in_dim3A_541 = vector.broadcast %broadcast_in_dim3A_540 : i32 to vector<16xi32>
        %swap3A_542 = arith.constant 896 : index
        %swap3A_543 = tpu.vector_load %arg6[%swap3A_542] {strides = array<i32>} : memref<1024xi32, #tpu.memory_space<vmem>>, vector<16xi32>,
        %swap3A_544 = vector.shape_cast %swap3A_543 : vector<16xi32> to vector<16xi32>
        %swap3A_545 = vector.shape_cast %broadcast_in_dim3A_541 : vector<16xi32> to vector<16xi32>
        tpu.vector_store %arg6[%swap3A_542], %swap3A_545 {strides = array<i32>} : memref<1024xi32, #tpu.memory_space<vmem>>, vector<16xi32>,
        %broadcast_in_dim3A_546 = arith.constant 0 : i32
        %broadcast_in_dim3A_547 = vector.broadcast %broadcast_in_dim3A_546 : i32 to vector<16xi32>
        %swap3A_548 = arith.constant 912 : index
        %swap3A_549 = tpu.vector_load %arg6[%swap3A_548] {strides = array<i32>} : memref<1024xi32, #tpu.memory_space<vmem>>, vector<16xi32>,
        %swap3A_550 = vector.shape_cast %swap3A_549 : vector<16xi32> to vector<16xi32>
        %swap3A_551 = vector.shape_cast %broadcast_in_dim3A_547 : vector<16xi32> to vector<16xi32>
        tpu.vector_store %arg6[%swap3A_548], %swap3A_551 {strides = array<i32>} : memref<1024xi32, #tpu.memory_space<vmem>>, vector<16xi32>,
        %broadcast_in_dim3A_552 = arith.constant 0 : i32
        %broadcast_in_dim3A_553 = vector.broadcast %broadcast_in_dim3A_552 : i32 to vector<16xi32>
        %swap3A_554 = arith.constant 928 : index
        %swap3A_555 = tpu.vector_load %arg6[%swap3A_554] {strides = array<i32>} : memref<1024xi32, #tpu.memory_space<vmem>>, vector<16xi32>,
        %swap3A_556 = vector.shape_cast %swap3A_555 : vector<16xi32> to vector<16xi32>
        %swap3A_557 = vector.shape_cast %broadcast_in_dim3A_553 : vector<16xi32> to vector<16xi32>
        tpu.vector_store %arg6[%swap3A_554], %swap3A_557 {strides = array<i32>} : memref<1024xi32, #tpu.memory_space<vmem>>, vector<16xi32>,
        %broadcast_in_dim3A_558 = arith.constant 0 : i32
        %broadcast_in_dim3A_559 = vector.broadcast %broadcast_in_dim3A_558 : i32 to vector<16xi32>
        %swap3A_560 = arith.constant 944 : index
        %swap3A_561 = tpu.vector_load %arg6[%swap3A_560] {strides = array<i32>} : memref<1024xi32, #tpu.memory_space<vmem>>, vector<16xi32>,
        %swap3A_562 = vector.shape_cast %swap3A_561 : vector<16xi32> to vector<16xi32>
        %swap3A_563 = vector.shape_cast %broadcast_in_dim3A_559 : vector<16xi32> to vector<16xi32>
        tpu.vector_store %arg6[%swap3A_560], %swap3A_563 {strides = array<i32>} : memref<1024xi32, #tpu.memory_space<vmem>>, vector<16xi32>,
        %broadcast_in_dim3A_564 = arith.constant 0 : i32
        %broadcast_in_dim3A_565 = vector.broadcast %broadcast_in_dim3A_564 : i32 to vector<16xi32>
        %swap3A_566 = arith.constant 960 : index
        %swap3A_567 = tpu.vector_load %arg6[%swap3A_566] {strides = array<i32>} : memref<1024xi32, #tpu.memory_space<vmem>>, vector<16xi32>,
        %swap3A_568 = vector.shape_cast %swap3A_567 : vector<16xi32> to vector<16xi32>
        %swap3A_569 = vector.shape_cast %broadcast_in_dim3A_565 : vector<16xi32> to vector<16xi32>
        tpu.vector_store %arg6[%swap3A_566], %swap3A_569 {strides = array<i32>} : memref<1024xi32, #tpu.memory_space<vmem>>, vector<16xi32>,
        %broadcast_in_dim3A_570 = arith.constant 0 : i32
        %broadcast_in_dim3A_571 = vector.broadcast %broadcast_in_dim3A_570 : i32 to vector<16xi32>
        %swap3A_572 = arith.constant 976 : index
        %swap3A_573 = tpu.vector_load %arg6[%swap3A_572] {strides = array<i32>} : memref<1024xi32, #tpu.memory_space<vmem>>, vector<16xi32>,
        %swap3A_574 = vector.shape_cast %swap3A_573 : vector<16xi32> to vector<16xi32>
        %swap3A_575 = vector.shape_cast %broadcast_in_dim3A_571 : vector<16xi32> to vector<16xi32>
        tpu.vector_store %arg6[%swap3A_572], %swap3A_575 {strides = array<i32>} : memref<1024xi32, #tpu.memory_space<vmem>>, vector<16xi32>,
        %broadcast_in_dim3A_576 = arith.constant 0 : i32
        %broadcast_in_dim3A_577 = vector.broadcast %broadcast_in_dim3A_576 : i32 to vector<16xi32>
        %swap3A_578 = arith.constant 992 : index
        %swap3A_579 = tpu.vector_load %arg6[%swap3A_578] {strides = array<i32>} : memref<1024xi32, #tpu.memory_space<vmem>>, vector<16xi32>,
        %swap3A_580 = vector.shape_cast %swap3A_579 : vector<16xi32> to vector<16xi32>
        %swap3A_581 = vector.shape_cast %broadcast_in_dim3A_577 : vector<16xi32> to vector<16xi32>
        tpu.vector_store %arg6[%swap3A_578], %swap3A_581 {strides = array<i32>} : memref<1024xi32, #tpu.memory_space<vmem>>, vector<16xi32>,
        %broadcast_in_dim3A_582 = arith.constant 0 : i32
        %broadcast_in_dim3A_583 = vector.broadcast %broadcast_in_dim3A_582 : i32 to vector<16xi32>
        %swap3A_584 = arith.constant 1008 : index
        %swap3A_585 = tpu.vector_load %arg6[%swap3A_584] {strides = array<i32>} : memref<1024xi32, #tpu.memory_space<vmem>>, vector<16xi32>,
        %swap3A_586 = vector.shape_cast %swap3A_585 : vector<16xi32> to vector<16xi32>
        %swap3A_587 = vector.shape_cast %broadcast_in_dim3A_583 : vector<16xi32> to vector<16xi32>
        tpu.vector_store %arg6[%swap3A_584], %swap3A_587 {strides = array<i32>} : memref<1024xi32, #tpu.memory_space<vmem>>, vector<16xi32>,
        "tpu.region"() ({
          %run_scoped3A = tpu.sem_alloc : memref<!tpu.dma_semaphore, #tpu.memory_space<semaphore_mem>>
          tpu.enqueue_dma source(%arg6 : memref<1024xi32, #tpu.memory_space<vmem>>) target(%arg8 : memref<1024xi32, #tpu.memory_space<vmem_shared>>) target_semaphore(%run_scoped3A : memref<!tpu.dma_semaphore, #tpu.memory_space<semaphore_mem>>)
          tpu.wait_dma2 semaphore(%run_scoped3A : memref<!tpu.dma_semaphore, #tpu.memory_space<semaphore_mem>>) src(%arg6 : memref<1024xi32, #tpu.memory_space<vmem>>) dst(%arg8 : memref<1024xi32, #tpu.memory_space<vmem_shared>>)
          tpu.yield
        }) : () -> ()
      } else {
      }
      %broadcast_in_dim3A = arith.constant 1 : i32
      %broadcast_in_dim3A_8 = vector.broadcast %broadcast_in_dim3A : i32 to vector<16xi32>
      %swap3A = arith.constant 0 : index
      %swap3A_9 = tpu.vector_load %arg5[%swap3A] {strides = array<i32>} : memref<512xi32, #tpu.memory_space<vmem>>, vector<16xi32>,
      %swap3A_10 = vector.shape_cast %swap3A_9 : vector<16xi32> to vector<16xi32>
      %swap3A_11 = vector.shape_cast %broadcast_in_dim3A_8 : vector<16xi32> to vector<16xi32>
      tpu.vector_store %arg5[%swap3A], %swap3A_11 {strides = array<i32>} : memref<512xi32, #tpu.memory_space<vmem>>, vector<16xi32>,
      %broadcast_in_dim3A_12 = arith.constant 1 : i32
      %broadcast_in_dim3A_13 = vector.broadcast %broadcast_in_dim3A_12 : i32 to vector<16xi32>
      %swap3A_14 = arith.constant 16 : index
      %swap3A_15 = tpu.vector_load %arg5[%swap3A_14] {strides = array<i32>} : memref<512xi32, #tpu.memory_space<vmem>>, vector<16xi32>,
      %swap3A_16 = vector.shape_cast %swap3A_15 : vector<16xi32> to vector<16xi32>
      %swap3A_17 = vector.shape_cast %broadcast_in_dim3A_13 : vector<16xi32> to vector<16xi32>
      tpu.vector_store %arg5[%swap3A_14], %swap3A_17 {strides = array<i32>} : memref<512xi32, #tpu.memory_space<vmem>>, vector<16xi32>,
      %broadcast_in_dim3A_18 = arith.constant 1 : i32
      %broadcast_in_dim3A_19 = vector.broadcast %broadcast_in_dim3A_18 : i32 to vector<16xi32>
      %swap3A_20 = arith.constant 32 : index
      %swap3A_21 = tpu.vector_load %arg5[%swap3A_20] {strides = array<i32>} : memref<512xi32, #tpu.memory_space<vmem>>, vector<16xi32>,
      %swap3A_22 = vector.shape_cast %swap3A_21 : vector<16xi32> to vector<16xi32>
      %swap3A_23 = vector.shape_cast %broadcast_in_dim3A_19 : vector<16xi32> to vector<16xi32>
      tpu.vector_store %arg5[%swap3A_20], %swap3A_23 {strides = array<i32>} : memref<512xi32, #tpu.memory_space<vmem>>, vector<16xi32>,
      %broadcast_in_dim3A_24 = arith.constant 1 : i32
      %broadcast_in_dim3A_25 = vector.broadcast %broadcast_in_dim3A_24 : i32 to vector<16xi32>
      %swap3A_26 = arith.constant 48 : index
      %swap3A_27 = tpu.vector_load %arg5[%swap3A_26] {strides = array<i32>} : memref<512xi32, #tpu.memory_space<vmem>>, vector<16xi32>,
      %swap3A_28 = vector.shape_cast %swap3A_27 : vector<16xi32> to vector<16xi32>
      %swap3A_29 = vector.shape_cast %broadcast_in_dim3A_25 : vector<16xi32> to vector<16xi32>
      tpu.vector_store %arg5[%swap3A_26], %swap3A_29 {strides = array<i32>} : memref<512xi32, #tpu.memory_space<vmem>>, vector<16xi32>,
      %broadcast_in_dim3A_30 = arith.constant 1 : i32
      %broadcast_in_dim3A_31 = vector.broadcast %broadcast_in_dim3A_30 : i32 to vector<16xi32>
      %swap3A_32 = arith.constant 64 : index
      %swap3A_33 = tpu.vector_load %arg5[%swap3A_32] {strides = array<i32>} : memref<512xi32, #tpu.memory_space<vmem>>, vector<16xi32>,
      %swap3A_34 = vector.shape_cast %swap3A_33 : vector<16xi32> to vector<16xi32>
      %swap3A_35 = vector.shape_cast %broadcast_in_dim3A_31 : vector<16xi32> to vector<16xi32>
      tpu.vector_store %arg5[%swap3A_32], %swap3A_35 {strides = array<i32>} : memref<512xi32, #tpu.memory_space<vmem>>, vector<16xi32>,
      %broadcast_in_dim3A_36 = arith.constant 1 : i32
      %broadcast_in_dim3A_37 = vector.broadcast %broadcast_in_dim3A_36 : i32 to vector<16xi32>
      %swap3A_38 = arith.constant 80 : index
      %swap3A_39 = tpu.vector_load %arg5[%swap3A_38] {strides = array<i32>} : memref<512xi32, #tpu.memory_space<vmem>>, vector<16xi32>,
      %swap3A_40 = vector.shape_cast %swap3A_39 : vector<16xi32> to vector<16xi32>
      %swap3A_41 = vector.shape_cast %broadcast_in_dim3A_37 : vector<16xi32> to vector<16xi32>
      tpu.vector_store %arg5[%swap3A_38], %swap3A_41 {strides = array<i32>} : memref<512xi32, #tpu.memory_space<vmem>>, vector<16xi32>,
      %broadcast_in_dim3A_42 = arith.constant 1 : i32
      %broadcast_in_dim3A_43 = vector.broadcast %broadcast_in_dim3A_42 : i32 to vector<16xi32>
      %swap3A_44 = arith.constant 96 : index
      %swap3A_45 = tpu.vector_load %arg5[%swap3A_44] {strides = array<i32>} : memref<512xi32, #tpu.memory_space<vmem>>, vector<16xi32>,
      %swap3A_46 = vector.shape_cast %swap3A_45 : vector<16xi32> to vector<16xi32>
      %swap3A_47 = vector.shape_cast %broadcast_in_dim3A_43 : vector<16xi32> to vector<16xi32>
      tpu.vector_store %arg5[%swap3A_44], %swap3A_47 {strides = array<i32>} : memref<512xi32, #tpu.memory_space<vmem>>, vector<16xi32>,
      %broadcast_in_dim3A_48 = arith.constant 1 : i32
      %broadcast_in_dim3A_49 = vector.broadcast %broadcast_in_dim3A_48 : i32 to vector<16xi32>
      %swap3A_50 = arith.constant 112 : index
      %swap3A_51 = tpu.vector_load %arg5[%swap3A_50] {strides = array<i32>} : memref<512xi32, #tpu.memory_space<vmem>>, vector<16xi32>,
      %swap3A_52 = vector.shape_cast %swap3A_51 : vector<16xi32> to vector<16xi32>
      %swap3A_53 = vector.shape_cast %broadcast_in_dim3A_49 : vector<16xi32> to vector<16xi32>
      tpu.vector_store %arg5[%swap3A_50], %swap3A_53 {strides = array<i32>} : memref<512xi32, #tpu.memory_space<vmem>>, vector<16xi32>,
      %broadcast_in_dim3A_54 = arith.constant 1 : i32
      %broadcast_in_dim3A_55 = vector.broadcast %broadcast_in_dim3A_54 : i32 to vector<16xi32>
      %swap3A_56 = arith.constant 128 : index
      %swap3A_57 = tpu.vector_load %arg5[%swap3A_56] {strides = array<i32>} : memref<512xi32, #tpu.memory_space<vmem>>, vector<16xi32>,
      %swap3A_58 = vector.shape_cast %swap3A_57 : vector<16xi32> to vector<16xi32>
      %swap3A_59 = vector.shape_cast %broadcast_in_dim3A_55 : vector<16xi32> to vector<16xi32>
      tpu.vector_store %arg5[%swap3A_56], %swap3A_59 {strides = array<i32>} : memref<512xi32, #tpu.memory_space<vmem>>, vector<16xi32>,
      %broadcast_in_dim3A_60 = arith.constant 1 : i32
      %broadcast_in_dim3A_61 = vector.broadcast %broadcast_in_dim3A_60 : i32 to vector<16xi32>
      %swap3A_62 = arith.constant 144 : index
      %swap3A_63 = tpu.vector_load %arg5[%swap3A_62] {strides = array<i32>} : memref<512xi32, #tpu.memory_space<vmem>>, vector<16xi32>,
      %swap3A_64 = vector.shape_cast %swap3A_63 : vector<16xi32> to vector<16xi32>
      %swap3A_65 = vector.shape_cast %broadcast_in_dim3A_61 : vector<16xi32> to vector<16xi32>
      tpu.vector_store %arg5[%swap3A_62], %swap3A_65 {strides = array<i32>} : memref<512xi32, #tpu.memory_space<vmem>>, vector<16xi32>,
      %broadcast_in_dim3A_66 = arith.constant 1 : i32
      %broadcast_in_dim3A_67 = vector.broadcast %broadcast_in_dim3A_66 : i32 to vector<16xi32>
      %swap3A_68 = arith.constant 160 : index
      %swap3A_69 = tpu.vector_load %arg5[%swap3A_68] {strides = array<i32>} : memref<512xi32, #tpu.memory_space<vmem>>, vector<16xi32>,
      %swap3A_70 = vector.shape_cast %swap3A_69 : vector<16xi32> to vector<16xi32>
      %swap3A_71 = vector.shape_cast %broadcast_in_dim3A_67 : vector<16xi32> to vector<16xi32>
      tpu.vector_store %arg5[%swap3A_68], %swap3A_71 {strides = array<i32>} : memref<512xi32, #tpu.memory_space<vmem>>, vector<16xi32>,
      %broadcast_in_dim3A_72 = arith.constant 1 : i32
      %broadcast_in_dim3A_73 = vector.broadcast %broadcast_in_dim3A_72 : i32 to vector<16xi32>
      %swap3A_74 = arith.constant 176 : index
      %swap3A_75 = tpu.vector_load %arg5[%swap3A_74] {strides = array<i32>} : memref<512xi32, #tpu.memory_space<vmem>>, vector<16xi32>,
      %swap3A_76 = vector.shape_cast %swap3A_75 : vector<16xi32> to vector<16xi32>
      %swap3A_77 = vector.shape_cast %broadcast_in_dim3A_73 : vector<16xi32> to vector<16xi32>
      tpu.vector_store %arg5[%swap3A_74], %swap3A_77 {strides = array<i32>} : memref<512xi32, #tpu.memory_space<vmem>>, vector<16xi32>,
      %broadcast_in_dim3A_78 = arith.constant 1 : i32
      %broadcast_in_dim3A_79 = vector.broadcast %broadcast_in_dim3A_78 : i32 to vector<16xi32>
      %swap3A_80 = arith.constant 192 : index
      %swap3A_81 = tpu.vector_load %arg5[%swap3A_80] {strides = array<i32>} : memref<512xi32, #tpu.memory_space<vmem>>, vector<16xi32>,
      %swap3A_82 = vector.shape_cast %swap3A_81 : vector<16xi32> to vector<16xi32>
      %swap3A_83 = vector.shape_cast %broadcast_in_dim3A_79 : vector<16xi32> to vector<16xi32>
      tpu.vector_store %arg5[%swap3A_80], %swap3A_83 {strides = array<i32>} : memref<512xi32, #tpu.memory_space<vmem>>, vector<16xi32>,
      %broadcast_in_dim3A_84 = arith.constant 1 : i32
      %broadcast_in_dim3A_85 = vector.broadcast %broadcast_in_dim3A_84 : i32 to vector<16xi32>
      %swap3A_86 = arith.constant 208 : index
      %swap3A_87 = tpu.vector_load %arg5[%swap3A_86] {strides = array<i32>} : memref<512xi32, #tpu.memory_space<vmem>>, vector<16xi32>,
      %swap3A_88 = vector.shape_cast %swap3A_87 : vector<16xi32> to vector<16xi32>
      %swap3A_89 = vector.shape_cast %broadcast_in_dim3A_85 : vector<16xi32> to vector<16xi32>
      tpu.vector_store %arg5[%swap3A_86], %swap3A_89 {strides = array<i32>} : memref<512xi32, #tpu.memory_space<vmem>>, vector<16xi32>,
      %broadcast_in_dim3A_90 = arith.constant 1 : i32
      %broadcast_in_dim3A_91 = vector.broadcast %broadcast_in_dim3A_90 : i32 to vector<16xi32>
      %swap3A_92 = arith.constant 224 : index
      %swap3A_93 = tpu.vector_load %arg5[%swap3A_92] {strides = array<i32>} : memref<512xi32, #tpu.memory_space<vmem>>, vector<16xi32>,
      %swap3A_94 = vector.shape_cast %swap3A_93 : vector<16xi32> to vector<16xi32>
      %swap3A_95 = vector.shape_cast %broadcast_in_dim3A_91 : vector<16xi32> to vector<16xi32>
      tpu.vector_store %arg5[%swap3A_92], %swap3A_95 {strides = array<i32>} : memref<512xi32, #tpu.memory_space<vmem>>, vector<16xi32>,
      %broadcast_in_dim3A_96 = arith.constant 1 : i32
      %broadcast_in_dim3A_97 = vector.broadcast %broadcast_in_dim3A_96 : i32 to vector<16xi32>
      %swap3A_98 = arith.constant 240 : index
      %swap3A_99 = tpu.vector_load %arg5[%swap3A_98] {strides = array<i32>} : memref<512xi32, #tpu.memory_space<vmem>>, vector<16xi32>,
      %swap3A_100 = vector.shape_cast %swap3A_99 : vector<16xi32> to vector<16xi32>
      %swap3A_101 = vector.shape_cast %broadcast_in_dim3A_97 : vector<16xi32> to vector<16xi32>
      tpu.vector_store %arg5[%swap3A_98], %swap3A_101 {strides = array<i32>} : memref<512xi32, #tpu.memory_space<vmem>>, vector<16xi32>,
      %broadcast_in_dim3A_102 = arith.constant 1 : i32
      %broadcast_in_dim3A_103 = vector.broadcast %broadcast_in_dim3A_102 : i32 to vector<16xi32>
      %swap3A_104 = arith.constant 256 : index
      %swap3A_105 = tpu.vector_load %arg5[%swap3A_104] {strides = array<i32>} : memref<512xi32, #tpu.memory_space<vmem>>, vector<16xi32>,
      %swap3A_106 = vector.shape_cast %swap3A_105 : vector<16xi32> to vector<16xi32>
      %swap3A_107 = vector.shape_cast %broadcast_in_dim3A_103 : vector<16xi32> to vector<16xi32>
      tpu.vector_store %arg5[%swap3A_104], %swap3A_107 {strides = array<i32>} : memref<512xi32, #tpu.memory_space<vmem>>, vector<16xi32>,
      %broadcast_in_dim3A_108 = arith.constant 1 : i32
      %broadcast_in_dim3A_109 = vector.broadcast %broadcast_in_dim3A_108 : i32 to vector<16xi32>
      %swap3A_110 = arith.constant 272 : index
      %swap3A_111 = tpu.vector_load %arg5[%swap3A_110] {strides = array<i32>} : memref<512xi32, #tpu.memory_space<vmem>>, vector<16xi32>,
      %swap3A_112 = vector.shape_cast %swap3A_111 : vector<16xi32> to vector<16xi32>
      %swap3A_113 = vector.shape_cast %broadcast_in_dim3A_109 : vector<16xi32> to vector<16xi32>
      tpu.vector_store %arg5[%swap3A_110], %swap3A_113 {strides = array<i32>} : memref<512xi32, #tpu.memory_space<vmem>>, vector<16xi32>,
      %broadcast_in_dim3A_114 = arith.constant 1 : i32
      %broadcast_in_dim3A_115 = vector.broadcast %broadcast_in_dim3A_114 : i32 to vector<16xi32>
      %swap3A_116 = arith.constant 288 : index
      %swap3A_117 = tpu.vector_load %arg5[%swap3A_116] {strides = array<i32>} : memref<512xi32, #tpu.memory_space<vmem>>, vector<16xi32>,
      %swap3A_118 = vector.shape_cast %swap3A_117 : vector<16xi32> to vector<16xi32>
      %swap3A_119 = vector.shape_cast %broadcast_in_dim3A_115 : vector<16xi32> to vector<16xi32>
      tpu.vector_store %arg5[%swap3A_116], %swap3A_119 {strides = array<i32>} : memref<512xi32, #tpu.memory_space<vmem>>, vector<16xi32>,
      %broadcast_in_dim3A_120 = arith.constant 1 : i32
      %broadcast_in_dim3A_121 = vector.broadcast %broadcast_in_dim3A_120 : i32 to vector<16xi32>
      %swap3A_122 = arith.constant 304 : index
      %swap3A_123 = tpu.vector_load %arg5[%swap3A_122] {strides = array<i32>} : memref<512xi32, #tpu.memory_space<vmem>>, vector<16xi32>,
      %swap3A_124 = vector.shape_cast %swap3A_123 : vector<16xi32> to vector<16xi32>
      %swap3A_125 = vector.shape_cast %broadcast_in_dim3A_121 : vector<16xi32> to vector<16xi32>
      tpu.vector_store %arg5[%swap3A_122], %swap3A_125 {strides = array<i32>} : memref<512xi32, #tpu.memory_space<vmem>>, vector<16xi32>,
      %broadcast_in_dim3A_126 = arith.constant 1 : i32
      %broadcast_in_dim3A_127 = vector.broadcast %broadcast_in_dim3A_126 : i32 to vector<16xi32>
      %swap3A_128 = arith.constant 320 : index
      %swap3A_129 = tpu.vector_load %arg5[%swap3A_128] {strides = array<i32>} : memref<512xi32, #tpu.memory_space<vmem>>, vector<16xi32>,
      %swap3A_130 = vector.shape_cast %swap3A_129 : vector<16xi32> to vector<16xi32>
      %swap3A_131 = vector.shape_cast %broadcast_in_dim3A_127 : vector<16xi32> to vector<16xi32>
      tpu.vector_store %arg5[%swap3A_128], %swap3A_131 {strides = array<i32>} : memref<512xi32, #tpu.memory_space<vmem>>, vector<16xi32>,
      %broadcast_in_dim3A_132 = arith.constant 1 : i32
      %broadcast_in_dim3A_133 = vector.broadcast %broadcast_in_dim3A_132 : i32 to vector<16xi32>
      %swap3A_134 = arith.constant 336 : index
      %swap3A_135 = tpu.vector_load %arg5[%swap3A_134] {strides = array<i32>} : memref<512xi32, #tpu.memory_space<vmem>>, vector<16xi32>,
      %swap3A_136 = vector.shape_cast %swap3A_135 : vector<16xi32> to vector<16xi32>
      %swap3A_137 = vector.shape_cast %broadcast_in_dim3A_133 : vector<16xi32> to vector<16xi32>
      tpu.vector_store %arg5[%swap3A_134], %swap3A_137 {strides = array<i32>} : memref<512xi32, #tpu.memory_space<vmem>>, vector<16xi32>,
      %broadcast_in_dim3A_138 = arith.constant 1 : i32
      %broadcast_in_dim3A_139 = vector.broadcast %broadcast_in_dim3A_138 : i32 to vector<16xi32>
      %swap3A_140 = arith.constant 352 : index
      %swap3A_141 = tpu.vector_load %arg5[%swap3A_140] {strides = array<i32>} : memref<512xi32, #tpu.memory_space<vmem>>, vector<16xi32>,
      %swap3A_142 = vector.shape_cast %swap3A_141 : vector<16xi32> to vector<16xi32>
      %swap3A_143 = vector.shape_cast %broadcast_in_dim3A_139 : vector<16xi32> to vector<16xi32>
      tpu.vector_store %arg5[%swap3A_140], %swap3A_143 {strides = array<i32>} : memref<512xi32, #tpu.memory_space<vmem>>, vector<16xi32>,
      %broadcast_in_dim3A_144 = arith.constant 1 : i32
      %broadcast_in_dim3A_145 = vector.broadcast %broadcast_in_dim3A_144 : i32 to vector<16xi32>
      %swap3A_146 = arith.constant 368 : index
      %swap3A_147 = tpu.vector_load %arg5[%swap3A_146] {strides = array<i32>} : memref<512xi32, #tpu.memory_space<vmem>>, vector<16xi32>,
      %swap3A_148 = vector.shape_cast %swap3A_147 : vector<16xi32> to vector<16xi32>
      %swap3A_149 = vector.shape_cast %broadcast_in_dim3A_145 : vector<16xi32> to vector<16xi32>
      tpu.vector_store %arg5[%swap3A_146], %swap3A_149 {strides = array<i32>} : memref<512xi32, #tpu.memory_space<vmem>>, vector<16xi32>,
      %broadcast_in_dim3A_150 = arith.constant 1 : i32
      %broadcast_in_dim3A_151 = vector.broadcast %broadcast_in_dim3A_150 : i32 to vector<16xi32>
      %swap3A_152 = arith.constant 384 : index
      %swap3A_153 = tpu.vector_load %arg5[%swap3A_152] {strides = array<i32>} : memref<512xi32, #tpu.memory_space<vmem>>, vector<16xi32>,
      %swap3A_154 = vector.shape_cast %swap3A_153 : vector<16xi32> to vector<16xi32>
      %swap3A_155 = vector.shape_cast %broadcast_in_dim3A_151 : vector<16xi32> to vector<16xi32>
      tpu.vector_store %arg5[%swap3A_152], %swap3A_155 {strides = array<i32>} : memref<512xi32, #tpu.memory_space<vmem>>, vector<16xi32>,
      %broadcast_in_dim3A_156 = arith.constant 1 : i32
      %broadcast_in_dim3A_157 = vector.broadcast %broadcast_in_dim3A_156 : i32 to vector<16xi32>
      %swap3A_158 = arith.constant 400 : index
      %swap3A_159 = tpu.vector_load %arg5[%swap3A_158] {strides = array<i32>} : memref<512xi32, #tpu.memory_space<vmem>>, vector<16xi32>,
      %swap3A_160 = vector.shape_cast %swap3A_159 : vector<16xi32> to vector<16xi32>
      %swap3A_161 = vector.shape_cast %broadcast_in_dim3A_157 : vector<16xi32> to vector<16xi32>
      tpu.vector_store %arg5[%swap3A_158], %swap3A_161 {strides = array<i32>} : memref<512xi32, #tpu.memory_space<vmem>>, vector<16xi32>,
      %broadcast_in_dim3A_162 = arith.constant 1 : i32
      %broadcast_in_dim3A_163 = vector.broadcast %broadcast_in_dim3A_162 : i32 to vector<16xi32>
      %swap3A_164 = arith.constant 416 : index
      %swap3A_165 = tpu.vector_load %arg5[%swap3A_164] {strides = array<i32>} : memref<512xi32, #tpu.memory_space<vmem>>, vector<16xi32>,
      %swap3A_166 = vector.shape_cast %swap3A_165 : vector<16xi32> to vector<16xi32>
      %swap3A_167 = vector.shape_cast %broadcast_in_dim3A_163 : vector<16xi32> to vector<16xi32>
      tpu.vector_store %arg5[%swap3A_164], %swap3A_167 {strides = array<i32>} : memref<512xi32, #tpu.memory_space<vmem>>, vector<16xi32>,
      %broadcast_in_dim3A_168 = arith.constant 1 : i32
      %broadcast_in_dim3A_169 = vector.broadcast %broadcast_in_dim3A_168 : i32 to vector<16xi32>
      %swap3A_170 = arith.constant 432 : index
      %swap3A_171 = tpu.vector_load %arg5[%swap3A_170] {strides = array<i32>} : memref<512xi32, #tpu.memory_space<vmem>>, vector<16xi32>,
      %swap3A_172 = vector.shape_cast %swap3A_171 : vector<16xi32> to vector<16xi32>
      %swap3A_173 = vector.shape_cast %broadcast_in_dim3A_169 : vector<16xi32> to vector<16xi32>
      tpu.vector_store %arg5[%swap3A_170], %swap3A_173 {strides = array<i32>} : memref<512xi32, #tpu.memory_space<vmem>>, vector<16xi32>,
      %broadcast_in_dim3A_174 = arith.constant 1 : i32
      %broadcast_in_dim3A_175 = vector.broadcast %broadcast_in_dim3A_174 : i32 to vector<16xi32>
      %swap3A_176 = arith.constant 448 : index
      %swap3A_177 = tpu.vector_load %arg5[%swap3A_176] {strides = array<i32>} : memref<512xi32, #tpu.memory_space<vmem>>, vector<16xi32>,
      %swap3A_178 = vector.shape_cast %swap3A_177 : vector<16xi32> to vector<16xi32>
      %swap3A_179 = vector.shape_cast %broadcast_in_dim3A_175 : vector<16xi32> to vector<16xi32>
      tpu.vector_store %arg5[%swap3A_176], %swap3A_179 {strides = array<i32>} : memref<512xi32, #tpu.memory_space<vmem>>, vector<16xi32>,
      %broadcast_in_dim3A_180 = arith.constant 1 : i32
      %broadcast_in_dim3A_181 = vector.broadcast %broadcast_in_dim3A_180 : i32 to vector<16xi32>
      %swap3A_182 = arith.constant 464 : index
      %swap3A_183 = tpu.vector_load %arg5[%swap3A_182] {strides = array<i32>} : memref<512xi32, #tpu.memory_space<vmem>>, vector<16xi32>,
      %swap3A_184 = vector.shape_cast %swap3A_183 : vector<16xi32> to vector<16xi32>
      %swap3A_185 = vector.shape_cast %broadcast_in_dim3A_181 : vector<16xi32> to vector<16xi32>
      tpu.vector_store %arg5[%swap3A_182], %swap3A_185 {strides = array<i32>} : memref<512xi32, #tpu.memory_space<vmem>>, vector<16xi32>,
      %broadcast_in_dim3A_186 = arith.constant 1 : i32
      %broadcast_in_dim3A_187 = vector.broadcast %broadcast_in_dim3A_186 : i32 to vector<16xi32>
      %swap3A_188 = arith.constant 480 : index
      %swap3A_189 = tpu.vector_load %arg5[%swap3A_188] {strides = array<i32>} : memref<512xi32, #tpu.memory_space<vmem>>, vector<16xi32>,
      %swap3A_190 = vector.shape_cast %swap3A_189 : vector<16xi32> to vector<16xi32>
      %swap3A_191 = vector.shape_cast %broadcast_in_dim3A_187 : vector<16xi32> to vector<16xi32>
      tpu.vector_store %arg5[%swap3A_188], %swap3A_191 {strides = array<i32>} : memref<512xi32, #tpu.memory_space<vmem>>, vector<16xi32>,
      %broadcast_in_dim3A_192 = arith.constant 1 : i32
      %broadcast_in_dim3A_193 = vector.broadcast %broadcast_in_dim3A_192 : i32 to vector<16xi32>
      %swap3A_194 = arith.constant 496 : index
      %swap3A_195 = tpu.vector_load %arg5[%swap3A_194] {strides = array<i32>} : memref<512xi32, #tpu.memory_space<vmem>>, vector<16xi32>,
      %swap3A_196 = vector.shape_cast %swap3A_195 : vector<16xi32> to vector<16xi32>
      %swap3A_197 = vector.shape_cast %broadcast_in_dim3A_193 : vector<16xi32> to vector<16xi32>
      tpu.vector_store %arg5[%swap3A_194], %swap3A_197 {strides = array<i32>} : memref<512xi32, #tpu.memory_space<vmem>>, vector<16xi32>,
      %barrier3A = arith.constant 0 : index
      tpu.barrier barrier_id(%barrier3A)
      "tpu.region"() ({
        %run_scoped3A = tpu.sem_alloc : memref<!tpu.dma_semaphore, #tpu.memory_space<semaphore_mem>>
        %dma_start3A = arith.constant 0 : i32
        %dma_start3A_204 = tpu.memref_slice %arg8[%dma_start3A] : memref<1024xi32, #tpu.memory_space<vmem_shared>> -> memref<1024xi32, #tpu.memory_space<vmem_shared>>
        tpu.enqueue_indirect_dma source(%arg5 : memref<512xi32, #tpu.memory_space<vmem>>) target(%dma_start3A_204 : memref<1024xi32, #tpu.memory_space<vmem_shared>>) offsets(%arg4 : memref<512xi32, #tpu.memory_space<vmem>>) semaphore(%run_scoped3A : memref<!tpu.dma_semaphore, #tpu.memory_space<semaphore_mem>>) {add = true}
        %dma_wait3A = arith.constant 0 : i32
        %dma_wait3A_205 = tpu.memref_slice %arg8[%dma_wait3A] : memref<1024xi32, #tpu.memory_space<vmem_shared>> -> memref<1024xi32, #tpu.memory_space<vmem_shared>>
        tpu.wait_indirect_dma semaphore(%run_scoped3A : memref<!tpu.dma_semaphore, #tpu.memory_space<semaphore_mem>>) src(%arg5 : memref<512xi32, #tpu.memory_space<vmem>>) dst(%dma_wait3A_205 : memref<1024xi32, #tpu.memory_space<vmem_shared>>)
        tpu.yield
      }) : () -> ()
      %barrier3A_198 = arith.constant 0 : index
      tpu.barrier barrier_id(%barrier3A_198)
      %eq3A_199 = arith.constant 0 : i32
      %eq3A_200 = arith.cmpi eq, %arg1, %eq3A_199 : i32
      %convert_element_type3A_201 = arith.extui %eq3A_200 : i1 to i32
      %cond3A_202 = arith.constant 0 : i32
      %cond3A_203 = arith.cmpi ne, %convert_element_type3A_201, %cond3A_202 : i32
      scf.if %cond3A_203 {
        "tpu.region"() ({
          %run_scoped3A = tpu.sem_alloc : memref<!tpu.dma_semaphore, #tpu.memory_space<semaphore_mem>>
          tpu.enqueue_dma source(%arg8 : memref<1024xi32, #tpu.memory_space<vmem_shared>>) target(%arg6 : memref<1024xi32, #tpu.memory_space<vmem>>) target_semaphore(%run_scoped3A : memref<!tpu.dma_semaphore, #tpu.memory_space<semaphore_mem>>)
          tpu.wait_dma2 semaphore(%run_scoped3A : memref<!tpu.dma_semaphore, #tpu.memory_space<semaphore_mem>>) src(%arg8 : memref<1024xi32, #tpu.memory_space<vmem_shared>>) dst(%arg6 : memref<1024xi32, #tpu.memory_space<vmem>>)
          tpu.yield
        }) : () -> ()
        %broadcast_in_dim3A_204 = arith.constant 1 : i32
        %broadcast_in_dim3A_205 = vector.broadcast %broadcast_in_dim3A_204 : i32 to vector<16xi32>
        %broadcast_in_dim3A_206 = arith.constant 0 : i32
        %broadcast_in_dim3A_207 = vector.broadcast %broadcast_in_dim3A_206 : i32 to vector<16xi32>
        %get3A = arith.constant 0 : index
        %get3A_208 = tpu.vector_load %arg6[%get3A] {strides = array<i32>} : memref<1024xi32, #tpu.memory_space<vmem>>, vector<16xi32>,
        %get3A_209 = vector.shape_cast %get3A_208 : vector<16xi32> to vector<16xi32>
        %eq3A_210 = arith.cmpi eq, %get3A_209, %broadcast_in_dim3A_207 : vector<16xi32>
        %select_n3A = arith.select %eq3A_210, %broadcast_in_dim3A_205, %broadcast_in_dim3A_207 : vector<16xi1>, vector<16xi32>
        %add3A = arith.addi %broadcast_in_dim3A_207, %select_n3A : vector<16xi32>
        %get3A_211 = arith.constant 16 : index
        %get3A_212 = tpu.vector_load %arg6[%get3A_211] {strides = array<i32>} : memref<1024xi32, #tpu.memory_space<vmem>>, vector<16xi32>,
        %get3A_213 = vector.shape_cast %get3A_212 : vector<16xi32> to vector<16xi32>
        %eq3A_214 = arith.cmpi eq, %get3A_213, %broadcast_in_dim3A_207 : vector<16xi32>
        %select_n3A_215 = arith.select %eq3A_214, %broadcast_in_dim3A_205, %broadcast_in_dim3A_207 : vector<16xi1>, vector<16xi32>
        %add3A_216 = arith.addi %add3A, %select_n3A_215 : vector<16xi32>
        %get3A_217 = arith.constant 32 : index
        %get3A_218 = tpu.vector_load %arg6[%get3A_217] {strides = array<i32>} : memref<1024xi32, #tpu.memory_space<vmem>>, vector<16xi32>,
        %get3A_219 = vector.shape_cast %get3A_218 : vector<16xi32> to vector<16xi32>
        %eq3A_220 = arith.cmpi eq, %get3A_219, %broadcast_in_dim3A_207 : vector<16xi32>
        %select_n3A_221 = arith.select %eq3A_220, %broadcast_in_dim3A_205, %broadcast_in_dim3A_207 : vector<16xi1>, vector<16xi32>
        %add3A_222 = arith.addi %add3A_216, %select_n3A_221 : vector<16xi32>
        %get3A_223 = arith.constant 48 : index
        %get3A_224 = tpu.vector_load %arg6[%get3A_223] {strides = array<i32>} : memref<1024xi32, #tpu.memory_space<vmem>>, vector<16xi32>,
        %get3A_225 = vector.shape_cast %get3A_224 : vector<16xi32> to vector<16xi32>
        %eq3A_226 = arith.cmpi eq, %get3A_225, %broadcast_in_dim3A_207 : vector<16xi32>
        %select_n3A_227 = arith.select %eq3A_226, %broadcast_in_dim3A_205, %broadcast_in_dim3A_207 : vector<16xi1>, vector<16xi32>
        %add3A_228 = arith.addi %add3A_222, %select_n3A_227 : vector<16xi32>
        %get3A_229 = arith.constant 64 : index
        %get3A_230 = tpu.vector_load %arg6[%get3A_229] {strides = array<i32>} : memref<1024xi32, #tpu.memory_space<vmem>>, vector<16xi32>,
        %get3A_231 = vector.shape_cast %get3A_230 : vector<16xi32> to vector<16xi32>
        %eq3A_232 = arith.cmpi eq, %get3A_231, %broadcast_in_dim3A_207 : vector<16xi32>
        %select_n3A_233 = arith.select %eq3A_232, %broadcast_in_dim3A_205, %broadcast_in_dim3A_207 : vector<16xi1>, vector<16xi32>
        %add3A_234 = arith.addi %add3A_228, %select_n3A_233 : vector<16xi32>
        %get3A_235 = arith.constant 80 : index
        %get3A_236 = tpu.vector_load %arg6[%get3A_235] {strides = array<i32>} : memref<1024xi32, #tpu.memory_space<vmem>>, vector<16xi32>,
        %get3A_237 = vector.shape_cast %get3A_236 : vector<16xi32> to vector<16xi32>
        %eq3A_238 = arith.cmpi eq, %get3A_237, %broadcast_in_dim3A_207 : vector<16xi32>
        %select_n3A_239 = arith.select %eq3A_238, %broadcast_in_dim3A_205, %broadcast_in_dim3A_207 : vector<16xi1>, vector<16xi32>
        %add3A_240 = arith.addi %add3A_234, %select_n3A_239 : vector<16xi32>
        %get3A_241 = arith.constant 96 : index
        %get3A_242 = tpu.vector_load %arg6[%get3A_241] {strides = array<i32>} : memref<1024xi32, #tpu.memory_space<vmem>>, vector<16xi32>,
        %get3A_243 = vector.shape_cast %get3A_242 : vector<16xi32> to vector<16xi32>
        %eq3A_244 = arith.cmpi eq, %get3A_243, %broadcast_in_dim3A_207 : vector<16xi32>
        %select_n3A_245 = arith.select %eq3A_244, %broadcast_in_dim3A_205, %broadcast_in_dim3A_207 : vector<16xi1>, vector<16xi32>
        %add3A_246 = arith.addi %add3A_240, %select_n3A_245 : vector<16xi32>
        %get3A_247 = arith.constant 112 : index
        %get3A_248 = tpu.vector_load %arg6[%get3A_247] {strides = array<i32>} : memref<1024xi32, #tpu.memory_space<vmem>>, vector<16xi32>,
        %get3A_249 = vector.shape_cast %get3A_248 : vector<16xi32> to vector<16xi32>
        %eq3A_250 = arith.cmpi eq, %get3A_249, %broadcast_in_dim3A_207 : vector<16xi32>
        %select_n3A_251 = arith.select %eq3A_250, %broadcast_in_dim3A_205, %broadcast_in_dim3A_207 : vector<16xi1>, vector<16xi32>
        %add3A_252 = arith.addi %add3A_246, %select_n3A_251 : vector<16xi32>
        %get3A_253 = arith.constant 128 : index
        %get3A_254 = tpu.vector_load %arg6[%get3A_253] {strides = array<i32>} : memref<1024xi32, #tpu.memory_space<vmem>>, vector<16xi32>,
        %get3A_255 = vector.shape_cast %get3A_254 : vector<16xi32> to vector<16xi32>
        %eq3A_256 = arith.cmpi eq, %get3A_255, %broadcast_in_dim3A_207 : vector<16xi32>
        %select_n3A_257 = arith.select %eq3A_256, %broadcast_in_dim3A_205, %broadcast_in_dim3A_207 : vector<16xi1>, vector<16xi32>
        %add3A_258 = arith.addi %add3A_252, %select_n3A_257 : vector<16xi32>
        %get3A_259 = arith.constant 144 : index
        %get3A_260 = tpu.vector_load %arg6[%get3A_259] {strides = array<i32>} : memref<1024xi32, #tpu.memory_space<vmem>>, vector<16xi32>,
        %get3A_261 = vector.shape_cast %get3A_260 : vector<16xi32> to vector<16xi32>
        %eq3A_262 = arith.cmpi eq, %get3A_261, %broadcast_in_dim3A_207 : vector<16xi32>
        %select_n3A_263 = arith.select %eq3A_262, %broadcast_in_dim3A_205, %broadcast_in_dim3A_207 : vector<16xi1>, vector<16xi32>
        %add3A_264 = arith.addi %add3A_258, %select_n3A_263 : vector<16xi32>
        %get3A_265 = arith.constant 160 : index
        %get3A_266 = tpu.vector_load %arg6[%get3A_265] {strides = array<i32>} : memref<1024xi32, #tpu.memory_space<vmem>>, vector<16xi32>,
        %get3A_267 = vector.shape_cast %get3A_266 : vector<16xi32> to vector<16xi32>
        %eq3A_268 = arith.cmpi eq, %get3A_267, %broadcast_in_dim3A_207 : vector<16xi32>
        %select_n3A_269 = arith.select %eq3A_268, %broadcast_in_dim3A_205, %broadcast_in_dim3A_207 : vector<16xi1>, vector<16xi32>
        %add3A_270 = arith.addi %add3A_264, %select_n3A_269 : vector<16xi32>
        %get3A_271 = arith.constant 176 : index
        %get3A_272 = tpu.vector_load %arg6[%get3A_271] {strides = array<i32>} : memref<1024xi32, #tpu.memory_space<vmem>>, vector<16xi32>,
        %get3A_273 = vector.shape_cast %get3A_272 : vector<16xi32> to vector<16xi32>
        %eq3A_274 = arith.cmpi eq, %get3A_273, %broadcast_in_dim3A_207 : vector<16xi32>
        %select_n3A_275 = arith.select %eq3A_274, %broadcast_in_dim3A_205, %broadcast_in_dim3A_207 : vector<16xi1>, vector<16xi32>
        %add3A_276 = arith.addi %add3A_270, %select_n3A_275 : vector<16xi32>
        %get3A_277 = arith.constant 192 : index
        %get3A_278 = tpu.vector_load %arg6[%get3A_277] {strides = array<i32>} : memref<1024xi32, #tpu.memory_space<vmem>>, vector<16xi32>,
        %get3A_279 = vector.shape_cast %get3A_278 : vector<16xi32> to vector<16xi32>
        %eq3A_280 = arith.cmpi eq, %get3A_279, %broadcast_in_dim3A_207 : vector<16xi32>
        %select_n3A_281 = arith.select %eq3A_280, %broadcast_in_dim3A_205, %broadcast_in_dim3A_207 : vector<16xi1>, vector<16xi32>
        %add3A_282 = arith.addi %add3A_276, %select_n3A_281 : vector<16xi32>
        %get3A_283 = arith.constant 208 : index
        %get3A_284 = tpu.vector_load %arg6[%get3A_283] {strides = array<i32>} : memref<1024xi32, #tpu.memory_space<vmem>>, vector<16xi32>,
        %get3A_285 = vector.shape_cast %get3A_284 : vector<16xi32> to vector<16xi32>
        %eq3A_286 = arith.cmpi eq, %get3A_285, %broadcast_in_dim3A_207 : vector<16xi32>
        %select_n3A_287 = arith.select %eq3A_286, %broadcast_in_dim3A_205, %broadcast_in_dim3A_207 : vector<16xi1>, vector<16xi32>
        %add3A_288 = arith.addi %add3A_282, %select_n3A_287 : vector<16xi32>
        %get3A_289 = arith.constant 224 : index
        %get3A_290 = tpu.vector_load %arg6[%get3A_289] {strides = array<i32>} : memref<1024xi32, #tpu.memory_space<vmem>>, vector<16xi32>,
        %get3A_291 = vector.shape_cast %get3A_290 : vector<16xi32> to vector<16xi32>
        %eq3A_292 = arith.cmpi eq, %get3A_291, %broadcast_in_dim3A_207 : vector<16xi32>
        %select_n3A_293 = arith.select %eq3A_292, %broadcast_in_dim3A_205, %broadcast_in_dim3A_207 : vector<16xi1>, vector<16xi32>
        %add3A_294 = arith.addi %add3A_288, %select_n3A_293 : vector<16xi32>
        %get3A_295 = arith.constant 240 : index
        %get3A_296 = tpu.vector_load %arg6[%get3A_295] {strides = array<i32>} : memref<1024xi32, #tpu.memory_space<vmem>>, vector<16xi32>,
        %get3A_297 = vector.shape_cast %get3A_296 : vector<16xi32> to vector<16xi32>
        %eq3A_298 = arith.cmpi eq, %get3A_297, %broadcast_in_dim3A_207 : vector<16xi32>
        %select_n3A_299 = arith.select %eq3A_298, %broadcast_in_dim3A_205, %broadcast_in_dim3A_207 : vector<16xi1>, vector<16xi32>
        %add3A_300 = arith.addi %add3A_294, %select_n3A_299 : vector<16xi32>
        %get3A_301 = arith.constant 256 : index
        %get3A_302 = tpu.vector_load %arg6[%get3A_301] {strides = array<i32>} : memref<1024xi32, #tpu.memory_space<vmem>>, vector<16xi32>,
        %get3A_303 = vector.shape_cast %get3A_302 : vector<16xi32> to vector<16xi32>
        %eq3A_304 = arith.cmpi eq, %get3A_303, %broadcast_in_dim3A_207 : vector<16xi32>
        %select_n3A_305 = arith.select %eq3A_304, %broadcast_in_dim3A_205, %broadcast_in_dim3A_207 : vector<16xi1>, vector<16xi32>
        %add3A_306 = arith.addi %add3A_300, %select_n3A_305 : vector<16xi32>
        %get3A_307 = arith.constant 272 : index
        %get3A_308 = tpu.vector_load %arg6[%get3A_307] {strides = array<i32>} : memref<1024xi32, #tpu.memory_space<vmem>>, vector<16xi32>,
        %get3A_309 = vector.shape_cast %get3A_308 : vector<16xi32> to vector<16xi32>
        %eq3A_310 = arith.cmpi eq, %get3A_309, %broadcast_in_dim3A_207 : vector<16xi32>
        %select_n3A_311 = arith.select %eq3A_310, %broadcast_in_dim3A_205, %broadcast_in_dim3A_207 : vector<16xi1>, vector<16xi32>
        %add3A_312 = arith.addi %add3A_306, %select_n3A_311 : vector<16xi32>
        %get3A_313 = arith.constant 288 : index
        %get3A_314 = tpu.vector_load %arg6[%get3A_313] {strides = array<i32>} : memref<1024xi32, #tpu.memory_space<vmem>>, vector<16xi32>,
        %get3A_315 = vector.shape_cast %get3A_314 : vector<16xi32> to vector<16xi32>
        %eq3A_316 = arith.cmpi eq, %get3A_315, %broadcast_in_dim3A_207 : vector<16xi32>
        %select_n3A_317 = arith.select %eq3A_316, %broadcast_in_dim3A_205, %broadcast_in_dim3A_207 : vector<16xi1>, vector<16xi32>
        %add3A_318 = arith.addi %add3A_312, %select_n3A_317 : vector<16xi32>
        %get3A_319 = arith.constant 304 : index
        %get3A_320 = tpu.vector_load %arg6[%get3A_319] {strides = array<i32>} : memref<1024xi32, #tpu.memory_space<vmem>>, vector<16xi32>,
        %get3A_321 = vector.shape_cast %get3A_320 : vector<16xi32> to vector<16xi32>
        %eq3A_322 = arith.cmpi eq, %get3A_321, %broadcast_in_dim3A_207 : vector<16xi32>
        %select_n3A_323 = arith.select %eq3A_322, %broadcast_in_dim3A_205, %broadcast_in_dim3A_207 : vector<16xi1>, vector<16xi32>
        %add3A_324 = arith.addi %add3A_318, %select_n3A_323 : vector<16xi32>
        %get3A_325 = arith.constant 320 : index
        %get3A_326 = tpu.vector_load %arg6[%get3A_325] {strides = array<i32>} : memref<1024xi32, #tpu.memory_space<vmem>>, vector<16xi32>,
        %get3A_327 = vector.shape_cast %get3A_326 : vector<16xi32> to vector<16xi32>
        %eq3A_328 = arith.cmpi eq, %get3A_327, %broadcast_in_dim3A_207 : vector<16xi32>
        %select_n3A_329 = arith.select %eq3A_328, %broadcast_in_dim3A_205, %broadcast_in_dim3A_207 : vector<16xi1>, vector<16xi32>
        %add3A_330 = arith.addi %add3A_324, %select_n3A_329 : vector<16xi32>
        %get3A_331 = arith.constant 336 : index
        %get3A_332 = tpu.vector_load %arg6[%get3A_331] {strides = array<i32>} : memref<1024xi32, #tpu.memory_space<vmem>>, vector<16xi32>,
        %get3A_333 = vector.shape_cast %get3A_332 : vector<16xi32> to vector<16xi32>
        %eq3A_334 = arith.cmpi eq, %get3A_333, %broadcast_in_dim3A_207 : vector<16xi32>
        %select_n3A_335 = arith.select %eq3A_334, %broadcast_in_dim3A_205, %broadcast_in_dim3A_207 : vector<16xi1>, vector<16xi32>
        %add3A_336 = arith.addi %add3A_330, %select_n3A_335 : vector<16xi32>
        %get3A_337 = arith.constant 352 : index
        %get3A_338 = tpu.vector_load %arg6[%get3A_337] {strides = array<i32>} : memref<1024xi32, #tpu.memory_space<vmem>>, vector<16xi32>,
        %get3A_339 = vector.shape_cast %get3A_338 : vector<16xi32> to vector<16xi32>
        %eq3A_340 = arith.cmpi eq, %get3A_339, %broadcast_in_dim3A_207 : vector<16xi32>
        %select_n3A_341 = arith.select %eq3A_340, %broadcast_in_dim3A_205, %broadcast_in_dim3A_207 : vector<16xi1>, vector<16xi32>
        %add3A_342 = arith.addi %add3A_336, %select_n3A_341 : vector<16xi32>
        %get3A_343 = arith.constant 368 : index
        %get3A_344 = tpu.vector_load %arg6[%get3A_343] {strides = array<i32>} : memref<1024xi32, #tpu.memory_space<vmem>>, vector<16xi32>,
        %get3A_345 = vector.shape_cast %get3A_344 : vector<16xi32> to vector<16xi32>
        %eq3A_346 = arith.cmpi eq, %get3A_345, %broadcast_in_dim3A_207 : vector<16xi32>
        %select_n3A_347 = arith.select %eq3A_346, %broadcast_in_dim3A_205, %broadcast_in_dim3A_207 : vector<16xi1>, vector<16xi32>
        %add3A_348 = arith.addi %add3A_342, %select_n3A_347 : vector<16xi32>
        %get3A_349 = arith.constant 384 : index
        %get3A_350 = tpu.vector_load %arg6[%get3A_349] {strides = array<i32>} : memref<1024xi32, #tpu.memory_space<vmem>>, vector<16xi32>,
        %get3A_351 = vector.shape_cast %get3A_350 : vector<16xi32> to vector<16xi32>
        %eq3A_352 = arith.cmpi eq, %get3A_351, %broadcast_in_dim3A_207 : vector<16xi32>
        %select_n3A_353 = arith.select %eq3A_352, %broadcast_in_dim3A_205, %broadcast_in_dim3A_207 : vector<16xi1>, vector<16xi32>
        %add3A_354 = arith.addi %add3A_348, %select_n3A_353 : vector<16xi32>
        %get3A_355 = arith.constant 400 : index
        %get3A_356 = tpu.vector_load %arg6[%get3A_355] {strides = array<i32>} : memref<1024xi32, #tpu.memory_space<vmem>>, vector<16xi32>,
        %get3A_357 = vector.shape_cast %get3A_356 : vector<16xi32> to vector<16xi32>
        %eq3A_358 = arith.cmpi eq, %get3A_357, %broadcast_in_dim3A_207 : vector<16xi32>
        %select_n3A_359 = arith.select %eq3A_358, %broadcast_in_dim3A_205, %broadcast_in_dim3A_207 : vector<16xi1>, vector<16xi32>
        %add3A_360 = arith.addi %add3A_354, %select_n3A_359 : vector<16xi32>
        %get3A_361 = arith.constant 416 : index
        %get3A_362 = tpu.vector_load %arg6[%get3A_361] {strides = array<i32>} : memref<1024xi32, #tpu.memory_space<vmem>>, vector<16xi32>,
        %get3A_363 = vector.shape_cast %get3A_362 : vector<16xi32> to vector<16xi32>
        %eq3A_364 = arith.cmpi eq, %get3A_363, %broadcast_in_dim3A_207 : vector<16xi32>
        %select_n3A_365 = arith.select %eq3A_364, %broadcast_in_dim3A_205, %broadcast_in_dim3A_207 : vector<16xi1>, vector<16xi32>
        %add3A_366 = arith.addi %add3A_360, %select_n3A_365 : vector<16xi32>
        %get3A_367 = arith.constant 432 : index
        %get3A_368 = tpu.vector_load %arg6[%get3A_367] {strides = array<i32>} : memref<1024xi32, #tpu.memory_space<vmem>>, vector<16xi32>,
        %get3A_369 = vector.shape_cast %get3A_368 : vector<16xi32> to vector<16xi32>
        %eq3A_370 = arith.cmpi eq, %get3A_369, %broadcast_in_dim3A_207 : vector<16xi32>
        %select_n3A_371 = arith.select %eq3A_370, %broadcast_in_dim3A_205, %broadcast_in_dim3A_207 : vector<16xi1>, vector<16xi32>
        %add3A_372 = arith.addi %add3A_366, %select_n3A_371 : vector<16xi32>
        %get3A_373 = arith.constant 448 : index
        %get3A_374 = tpu.vector_load %arg6[%get3A_373] {strides = array<i32>} : memref<1024xi32, #tpu.memory_space<vmem>>, vector<16xi32>,
        %get3A_375 = vector.shape_cast %get3A_374 : vector<16xi32> to vector<16xi32>
        %eq3A_376 = arith.cmpi eq, %get3A_375, %broadcast_in_dim3A_207 : vector<16xi32>
        %select_n3A_377 = arith.select %eq3A_376, %broadcast_in_dim3A_205, %broadcast_in_dim3A_207 : vector<16xi1>, vector<16xi32>
        %add3A_378 = arith.addi %add3A_372, %select_n3A_377 : vector<16xi32>
        %get3A_379 = arith.constant 464 : index
        %get3A_380 = tpu.vector_load %arg6[%get3A_379] {strides = array<i32>} : memref<1024xi32, #tpu.memory_space<vmem>>, vector<16xi32>,
        %get3A_381 = vector.shape_cast %get3A_380 : vector<16xi32> to vector<16xi32>
        %eq3A_382 = arith.cmpi eq, %get3A_381, %broadcast_in_dim3A_207 : vector<16xi32>
        %select_n3A_383 = arith.select %eq3A_382, %broadcast_in_dim3A_205, %broadcast_in_dim3A_207 : vector<16xi1>, vector<16xi32>
        %add3A_384 = arith.addi %add3A_378, %select_n3A_383 : vector<16xi32>
        %get3A_385 = arith.constant 480 : index
        %get3A_386 = tpu.vector_load %arg6[%get3A_385] {strides = array<i32>} : memref<1024xi32, #tpu.memory_space<vmem>>, vector<16xi32>,
        %get3A_387 = vector.shape_cast %get3A_386 : vector<16xi32> to vector<16xi32>
        %eq3A_388 = arith.cmpi eq, %get3A_387, %broadcast_in_dim3A_207 : vector<16xi32>
        %select_n3A_389 = arith.select %eq3A_388, %broadcast_in_dim3A_205, %broadcast_in_dim3A_207 : vector<16xi1>, vector<16xi32>
        %add3A_390 = arith.addi %add3A_384, %select_n3A_389 : vector<16xi32>
        %get3A_391 = arith.constant 496 : index
        %get3A_392 = tpu.vector_load %arg6[%get3A_391] {strides = array<i32>} : memref<1024xi32, #tpu.memory_space<vmem>>, vector<16xi32>,
        %get3A_393 = vector.shape_cast %get3A_392 : vector<16xi32> to vector<16xi32>
        %eq3A_394 = arith.cmpi eq, %get3A_393, %broadcast_in_dim3A_207 : vector<16xi32>
        %select_n3A_395 = arith.select %eq3A_394, %broadcast_in_dim3A_205, %broadcast_in_dim3A_207 : vector<16xi1>, vector<16xi32>
        %add3A_396 = arith.addi %add3A_390, %select_n3A_395 : vector<16xi32>
        %get3A_397 = arith.constant 512 : index
        %get3A_398 = tpu.vector_load %arg6[%get3A_397] {strides = array<i32>} : memref<1024xi32, #tpu.memory_space<vmem>>, vector<16xi32>,
        %get3A_399 = vector.shape_cast %get3A_398 : vector<16xi32> to vector<16xi32>
        %eq3A_400 = arith.cmpi eq, %get3A_399, %broadcast_in_dim3A_207 : vector<16xi32>
        %select_n3A_401 = arith.select %eq3A_400, %broadcast_in_dim3A_205, %broadcast_in_dim3A_207 : vector<16xi1>, vector<16xi32>
        %add3A_402 = arith.addi %add3A_396, %select_n3A_401 : vector<16xi32>
        %get3A_403 = arith.constant 528 : index
        %get3A_404 = tpu.vector_load %arg6[%get3A_403] {strides = array<i32>} : memref<1024xi32, #tpu.memory_space<vmem>>, vector<16xi32>,
        %get3A_405 = vector.shape_cast %get3A_404 : vector<16xi32> to vector<16xi32>
        %eq3A_406 = arith.cmpi eq, %get3A_405, %broadcast_in_dim3A_207 : vector<16xi32>
        %select_n3A_407 = arith.select %eq3A_406, %broadcast_in_dim3A_205, %broadcast_in_dim3A_207 : vector<16xi1>, vector<16xi32>
        %add3A_408 = arith.addi %add3A_402, %select_n3A_407 : vector<16xi32>
        %get3A_409 = arith.constant 544 : index
        %get3A_410 = tpu.vector_load %arg6[%get3A_409] {strides = array<i32>} : memref<1024xi32, #tpu.memory_space<vmem>>, vector<16xi32>,
        %get3A_411 = vector.shape_cast %get3A_410 : vector<16xi32> to vector<16xi32>
        %eq3A_412 = arith.cmpi eq, %get3A_411, %broadcast_in_dim3A_207 : vector<16xi32>
        %select_n3A_413 = arith.select %eq3A_412, %broadcast_in_dim3A_205, %broadcast_in_dim3A_207 : vector<16xi1>, vector<16xi32>
        %add3A_414 = arith.addi %add3A_408, %select_n3A_413 : vector<16xi32>
        %get3A_415 = arith.constant 560 : index
        %get3A_416 = tpu.vector_load %arg6[%get3A_415] {strides = array<i32>} : memref<1024xi32, #tpu.memory_space<vmem>>, vector<16xi32>,
        %get3A_417 = vector.shape_cast %get3A_416 : vector<16xi32> to vector<16xi32>
        %eq3A_418 = arith.cmpi eq, %get3A_417, %broadcast_in_dim3A_207 : vector<16xi32>
        %select_n3A_419 = arith.select %eq3A_418, %broadcast_in_dim3A_205, %broadcast_in_dim3A_207 : vector<16xi1>, vector<16xi32>
        %add3A_420 = arith.addi %add3A_414, %select_n3A_419 : vector<16xi32>
        %get3A_421 = arith.constant 576 : index
        %get3A_422 = tpu.vector_load %arg6[%get3A_421] {strides = array<i32>} : memref<1024xi32, #tpu.memory_space<vmem>>, vector<16xi32>,
        %get3A_423 = vector.shape_cast %get3A_422 : vector<16xi32> to vector<16xi32>
        %eq3A_424 = arith.cmpi eq, %get3A_423, %broadcast_in_dim3A_207 : vector<16xi32>
        %select_n3A_425 = arith.select %eq3A_424, %broadcast_in_dim3A_205, %broadcast_in_dim3A_207 : vector<16xi1>, vector<16xi32>
        %add3A_426 = arith.addi %add3A_420, %select_n3A_425 : vector<16xi32>
        %get3A_427 = arith.constant 592 : index
        %get3A_428 = tpu.vector_load %arg6[%get3A_427] {strides = array<i32>} : memref<1024xi32, #tpu.memory_space<vmem>>, vector<16xi32>,
        %get3A_429 = vector.shape_cast %get3A_428 : vector<16xi32> to vector<16xi32>
        %eq3A_430 = arith.cmpi eq, %get3A_429, %broadcast_in_dim3A_207 : vector<16xi32>
        %select_n3A_431 = arith.select %eq3A_430, %broadcast_in_dim3A_205, %broadcast_in_dim3A_207 : vector<16xi1>, vector<16xi32>
        %add3A_432 = arith.addi %add3A_426, %select_n3A_431 : vector<16xi32>
        %get3A_433 = arith.constant 608 : index
        %get3A_434 = tpu.vector_load %arg6[%get3A_433] {strides = array<i32>} : memref<1024xi32, #tpu.memory_space<vmem>>, vector<16xi32>,
        %get3A_435 = vector.shape_cast %get3A_434 : vector<16xi32> to vector<16xi32>
        %eq3A_436 = arith.cmpi eq, %get3A_435, %broadcast_in_dim3A_207 : vector<16xi32>
        %select_n3A_437 = arith.select %eq3A_436, %broadcast_in_dim3A_205, %broadcast_in_dim3A_207 : vector<16xi1>, vector<16xi32>
        %add3A_438 = arith.addi %add3A_432, %select_n3A_437 : vector<16xi32>
        %get3A_439 = arith.constant 624 : index
        %get3A_440 = tpu.vector_load %arg6[%get3A_439] {strides = array<i32>} : memref<1024xi32, #tpu.memory_space<vmem>>, vector<16xi32>,
        %get3A_441 = vector.shape_cast %get3A_440 : vector<16xi32> to vector<16xi32>
        %eq3A_442 = arith.cmpi eq, %get3A_441, %broadcast_in_dim3A_207 : vector<16xi32>
        %select_n3A_443 = arith.select %eq3A_442, %broadcast_in_dim3A_205, %broadcast_in_dim3A_207 : vector<16xi1>, vector<16xi32>
        %add3A_444 = arith.addi %add3A_438, %select_n3A_443 : vector<16xi32>
        %get3A_445 = arith.constant 640 : index
        %get3A_446 = tpu.vector_load %arg6[%get3A_445] {strides = array<i32>} : memref<1024xi32, #tpu.memory_space<vmem>>, vector<16xi32>,
        %get3A_447 = vector.shape_cast %get3A_446 : vector<16xi32> to vector<16xi32>
        %eq3A_448 = arith.cmpi eq, %get3A_447, %broadcast_in_dim3A_207 : vector<16xi32>
        %select_n3A_449 = arith.select %eq3A_448, %broadcast_in_dim3A_205, %broadcast_in_dim3A_207 : vector<16xi1>, vector<16xi32>
        %add3A_450 = arith.addi %add3A_444, %select_n3A_449 : vector<16xi32>
        %get3A_451 = arith.constant 656 : index
        %get3A_452 = tpu.vector_load %arg6[%get3A_451] {strides = array<i32>} : memref<1024xi32, #tpu.memory_space<vmem>>, vector<16xi32>,
        %get3A_453 = vector.shape_cast %get3A_452 : vector<16xi32> to vector<16xi32>
        %eq3A_454 = arith.cmpi eq, %get3A_453, %broadcast_in_dim3A_207 : vector<16xi32>
        %select_n3A_455 = arith.select %eq3A_454, %broadcast_in_dim3A_205, %broadcast_in_dim3A_207 : vector<16xi1>, vector<16xi32>
        %add3A_456 = arith.addi %add3A_450, %select_n3A_455 : vector<16xi32>
        %get3A_457 = arith.constant 672 : index
        %get3A_458 = tpu.vector_load %arg6[%get3A_457] {strides = array<i32>} : memref<1024xi32, #tpu.memory_space<vmem>>, vector<16xi32>,
        %get3A_459 = vector.shape_cast %get3A_458 : vector<16xi32> to vector<16xi32>
        %eq3A_460 = arith.cmpi eq, %get3A_459, %broadcast_in_dim3A_207 : vector<16xi32>
        %select_n3A_461 = arith.select %eq3A_460, %broadcast_in_dim3A_205, %broadcast_in_dim3A_207 : vector<16xi1>, vector<16xi32>
        %add3A_462 = arith.addi %add3A_456, %select_n3A_461 : vector<16xi32>
        %get3A_463 = arith.constant 688 : index
        %get3A_464 = tpu.vector_load %arg6[%get3A_463] {strides = array<i32>} : memref<1024xi32, #tpu.memory_space<vmem>>, vector<16xi32>,
        %get3A_465 = vector.shape_cast %get3A_464 : vector<16xi32> to vector<16xi32>
        %eq3A_466 = arith.cmpi eq, %get3A_465, %broadcast_in_dim3A_207 : vector<16xi32>
        %select_n3A_467 = arith.select %eq3A_466, %broadcast_in_dim3A_205, %broadcast_in_dim3A_207 : vector<16xi1>, vector<16xi32>
        %add3A_468 = arith.addi %add3A_462, %select_n3A_467 : vector<16xi32>
        %get3A_469 = arith.constant 704 : index
        %get3A_470 = tpu.vector_load %arg6[%get3A_469] {strides = array<i32>} : memref<1024xi32, #tpu.memory_space<vmem>>, vector<16xi32>,
        %get3A_471 = vector.shape_cast %get3A_470 : vector<16xi32> to vector<16xi32>
        %eq3A_472 = arith.cmpi eq, %get3A_471, %broadcast_in_dim3A_207 : vector<16xi32>
        %select_n3A_473 = arith.select %eq3A_472, %broadcast_in_dim3A_205, %broadcast_in_dim3A_207 : vector<16xi1>, vector<16xi32>
        %add3A_474 = arith.addi %add3A_468, %select_n3A_473 : vector<16xi32>
        %get3A_475 = arith.constant 720 : index
        %get3A_476 = tpu.vector_load %arg6[%get3A_475] {strides = array<i32>} : memref<1024xi32, #tpu.memory_space<vmem>>, vector<16xi32>,
        %get3A_477 = vector.shape_cast %get3A_476 : vector<16xi32> to vector<16xi32>
        %eq3A_478 = arith.cmpi eq, %get3A_477, %broadcast_in_dim3A_207 : vector<16xi32>
        %select_n3A_479 = arith.select %eq3A_478, %broadcast_in_dim3A_205, %broadcast_in_dim3A_207 : vector<16xi1>, vector<16xi32>
        %add3A_480 = arith.addi %add3A_474, %select_n3A_479 : vector<16xi32>
        %get3A_481 = arith.constant 736 : index
        %get3A_482 = tpu.vector_load %arg6[%get3A_481] {strides = array<i32>} : memref<1024xi32, #tpu.memory_space<vmem>>, vector<16xi32>,
        %get3A_483 = vector.shape_cast %get3A_482 : vector<16xi32> to vector<16xi32>
        %eq3A_484 = arith.cmpi eq, %get3A_483, %broadcast_in_dim3A_207 : vector<16xi32>
        %select_n3A_485 = arith.select %eq3A_484, %broadcast_in_dim3A_205, %broadcast_in_dim3A_207 : vector<16xi1>, vector<16xi32>
        %add3A_486 = arith.addi %add3A_480, %select_n3A_485 : vector<16xi32>
        %get3A_487 = arith.constant 752 : index
        %get3A_488 = tpu.vector_load %arg6[%get3A_487] {strides = array<i32>} : memref<1024xi32, #tpu.memory_space<vmem>>, vector<16xi32>,
        %get3A_489 = vector.shape_cast %get3A_488 : vector<16xi32> to vector<16xi32>
        %eq3A_490 = arith.cmpi eq, %get3A_489, %broadcast_in_dim3A_207 : vector<16xi32>
        %select_n3A_491 = arith.select %eq3A_490, %broadcast_in_dim3A_205, %broadcast_in_dim3A_207 : vector<16xi1>, vector<16xi32>
        %add3A_492 = arith.addi %add3A_486, %select_n3A_491 : vector<16xi32>
        %get3A_493 = arith.constant 768 : index
        %get3A_494 = tpu.vector_load %arg6[%get3A_493] {strides = array<i32>} : memref<1024xi32, #tpu.memory_space<vmem>>, vector<16xi32>,
        %get3A_495 = vector.shape_cast %get3A_494 : vector<16xi32> to vector<16xi32>
        %eq3A_496 = arith.cmpi eq, %get3A_495, %broadcast_in_dim3A_207 : vector<16xi32>
        %select_n3A_497 = arith.select %eq3A_496, %broadcast_in_dim3A_205, %broadcast_in_dim3A_207 : vector<16xi1>, vector<16xi32>
        %add3A_498 = arith.addi %add3A_492, %select_n3A_497 : vector<16xi32>
        %get3A_499 = arith.constant 784 : index
        %get3A_500 = tpu.vector_load %arg6[%get3A_499] {strides = array<i32>} : memref<1024xi32, #tpu.memory_space<vmem>>, vector<16xi32>,
        %get3A_501 = vector.shape_cast %get3A_500 : vector<16xi32> to vector<16xi32>
        %eq3A_502 = arith.cmpi eq, %get3A_501, %broadcast_in_dim3A_207 : vector<16xi32>
        %select_n3A_503 = arith.select %eq3A_502, %broadcast_in_dim3A_205, %broadcast_in_dim3A_207 : vector<16xi1>, vector<16xi32>
        %add3A_504 = arith.addi %add3A_498, %select_n3A_503 : vector<16xi32>
        %get3A_505 = arith.constant 800 : index
        %get3A_506 = tpu.vector_load %arg6[%get3A_505] {strides = array<i32>} : memref<1024xi32, #tpu.memory_space<vmem>>, vector<16xi32>,
        %get3A_507 = vector.shape_cast %get3A_506 : vector<16xi32> to vector<16xi32>
        %eq3A_508 = arith.cmpi eq, %get3A_507, %broadcast_in_dim3A_207 : vector<16xi32>
        %select_n3A_509 = arith.select %eq3A_508, %broadcast_in_dim3A_205, %broadcast_in_dim3A_207 : vector<16xi1>, vector<16xi32>
        %add3A_510 = arith.addi %add3A_504, %select_n3A_509 : vector<16xi32>
        %get3A_511 = arith.constant 816 : index
        %get3A_512 = tpu.vector_load %arg6[%get3A_511] {strides = array<i32>} : memref<1024xi32, #tpu.memory_space<vmem>>, vector<16xi32>,
        %get3A_513 = vector.shape_cast %get3A_512 : vector<16xi32> to vector<16xi32>
        %eq3A_514 = arith.cmpi eq, %get3A_513, %broadcast_in_dim3A_207 : vector<16xi32>
        %select_n3A_515 = arith.select %eq3A_514, %broadcast_in_dim3A_205, %broadcast_in_dim3A_207 : vector<16xi1>, vector<16xi32>
        %add3A_516 = arith.addi %add3A_510, %select_n3A_515 : vector<16xi32>
        %get3A_517 = arith.constant 832 : index
        %get3A_518 = tpu.vector_load %arg6[%get3A_517] {strides = array<i32>} : memref<1024xi32, #tpu.memory_space<vmem>>, vector<16xi32>,
        %get3A_519 = vector.shape_cast %get3A_518 : vector<16xi32> to vector<16xi32>
        %eq3A_520 = arith.cmpi eq, %get3A_519, %broadcast_in_dim3A_207 : vector<16xi32>
        %select_n3A_521 = arith.select %eq3A_520, %broadcast_in_dim3A_205, %broadcast_in_dim3A_207 : vector<16xi1>, vector<16xi32>
        %add3A_522 = arith.addi %add3A_516, %select_n3A_521 : vector<16xi32>
        %get3A_523 = arith.constant 848 : index
        %get3A_524 = tpu.vector_load %arg6[%get3A_523] {strides = array<i32>} : memref<1024xi32, #tpu.memory_space<vmem>>, vector<16xi32>,
        %get3A_525 = vector.shape_cast %get3A_524 : vector<16xi32> to vector<16xi32>
        %eq3A_526 = arith.cmpi eq, %get3A_525, %broadcast_in_dim3A_207 : vector<16xi32>
        %select_n3A_527 = arith.select %eq3A_526, %broadcast_in_dim3A_205, %broadcast_in_dim3A_207 : vector<16xi1>, vector<16xi32>
        %add3A_528 = arith.addi %add3A_522, %select_n3A_527 : vector<16xi32>
        %get3A_529 = arith.constant 864 : index
        %get3A_530 = tpu.vector_load %arg6[%get3A_529] {strides = array<i32>} : memref<1024xi32, #tpu.memory_space<vmem>>, vector<16xi32>,
        %get3A_531 = vector.shape_cast %get3A_530 : vector<16xi32> to vector<16xi32>
        %eq3A_532 = arith.cmpi eq, %get3A_531, %broadcast_in_dim3A_207 : vector<16xi32>
        %select_n3A_533 = arith.select %eq3A_532, %broadcast_in_dim3A_205, %broadcast_in_dim3A_207 : vector<16xi1>, vector<16xi32>
        %add3A_534 = arith.addi %add3A_528, %select_n3A_533 : vector<16xi32>
        %get3A_535 = arith.constant 880 : index
        %get3A_536 = tpu.vector_load %arg6[%get3A_535] {strides = array<i32>} : memref<1024xi32, #tpu.memory_space<vmem>>, vector<16xi32>,
        %get3A_537 = vector.shape_cast %get3A_536 : vector<16xi32> to vector<16xi32>
        %eq3A_538 = arith.cmpi eq, %get3A_537, %broadcast_in_dim3A_207 : vector<16xi32>
        %select_n3A_539 = arith.select %eq3A_538, %broadcast_in_dim3A_205, %broadcast_in_dim3A_207 : vector<16xi1>, vector<16xi32>
        %add3A_540 = arith.addi %add3A_534, %select_n3A_539 : vector<16xi32>
        %get3A_541 = arith.constant 896 : index
        %get3A_542 = tpu.vector_load %arg6[%get3A_541] {strides = array<i32>} : memref<1024xi32, #tpu.memory_space<vmem>>, vector<16xi32>,
        %get3A_543 = vector.shape_cast %get3A_542 : vector<16xi32> to vector<16xi32>
        %eq3A_544 = arith.cmpi eq, %get3A_543, %broadcast_in_dim3A_207 : vector<16xi32>
        %select_n3A_545 = arith.select %eq3A_544, %broadcast_in_dim3A_205, %broadcast_in_dim3A_207 : vector<16xi1>, vector<16xi32>
        %add3A_546 = arith.addi %add3A_540, %select_n3A_545 : vector<16xi32>
        %get3A_547 = arith.constant 912 : index
        %get3A_548 = tpu.vector_load %arg6[%get3A_547] {strides = array<i32>} : memref<1024xi32, #tpu.memory_space<vmem>>, vector<16xi32>,
        %get3A_549 = vector.shape_cast %get3A_548 : vector<16xi32> to vector<16xi32>
        %eq3A_550 = arith.cmpi eq, %get3A_549, %broadcast_in_dim3A_207 : vector<16xi32>
        %select_n3A_551 = arith.select %eq3A_550, %broadcast_in_dim3A_205, %broadcast_in_dim3A_207 : vector<16xi1>, vector<16xi32>
        %add3A_552 = arith.addi %add3A_546, %select_n3A_551 : vector<16xi32>
        %get3A_553 = arith.constant 928 : index
        %get3A_554 = tpu.vector_load %arg6[%get3A_553] {strides = array<i32>} : memref<1024xi32, #tpu.memory_space<vmem>>, vector<16xi32>,
        %get3A_555 = vector.shape_cast %get3A_554 : vector<16xi32> to vector<16xi32>
        %eq3A_556 = arith.cmpi eq, %get3A_555, %broadcast_in_dim3A_207 : vector<16xi32>
        %select_n3A_557 = arith.select %eq3A_556, %broadcast_in_dim3A_205, %broadcast_in_dim3A_207 : vector<16xi1>, vector<16xi32>
        %add3A_558 = arith.addi %add3A_552, %select_n3A_557 : vector<16xi32>
        %get3A_559 = arith.constant 944 : index
        %get3A_560 = tpu.vector_load %arg6[%get3A_559] {strides = array<i32>} : memref<1024xi32, #tpu.memory_space<vmem>>, vector<16xi32>,
        %get3A_561 = vector.shape_cast %get3A_560 : vector<16xi32> to vector<16xi32>
        %eq3A_562 = arith.cmpi eq, %get3A_561, %broadcast_in_dim3A_207 : vector<16xi32>
        %select_n3A_563 = arith.select %eq3A_562, %broadcast_in_dim3A_205, %broadcast_in_dim3A_207 : vector<16xi1>, vector<16xi32>
        %add3A_564 = arith.addi %add3A_558, %select_n3A_563 : vector<16xi32>
        %get3A_565 = arith.constant 960 : index
        %get3A_566 = tpu.vector_load %arg6[%get3A_565] {strides = array<i32>} : memref<1024xi32, #tpu.memory_space<vmem>>, vector<16xi32>,
        %get3A_567 = vector.shape_cast %get3A_566 : vector<16xi32> to vector<16xi32>
        %eq3A_568 = arith.cmpi eq, %get3A_567, %broadcast_in_dim3A_207 : vector<16xi32>
        %select_n3A_569 = arith.select %eq3A_568, %broadcast_in_dim3A_205, %broadcast_in_dim3A_207 : vector<16xi1>, vector<16xi32>
        %add3A_570 = arith.addi %add3A_564, %select_n3A_569 : vector<16xi32>
        %get3A_571 = arith.constant 976 : index
        %get3A_572 = tpu.vector_load %arg6[%get3A_571] {strides = array<i32>} : memref<1024xi32, #tpu.memory_space<vmem>>, vector<16xi32>,
        %get3A_573 = vector.shape_cast %get3A_572 : vector<16xi32> to vector<16xi32>
        %eq3A_574 = arith.cmpi eq, %get3A_573, %broadcast_in_dim3A_207 : vector<16xi32>
        %select_n3A_575 = arith.select %eq3A_574, %broadcast_in_dim3A_205, %broadcast_in_dim3A_207 : vector<16xi1>, vector<16xi32>
        %add3A_576 = arith.addi %add3A_570, %select_n3A_575 : vector<16xi32>
        %get3A_577 = arith.constant 992 : index
        %get3A_578 = tpu.vector_load %arg6[%get3A_577] {strides = array<i32>} : memref<1024xi32, #tpu.memory_space<vmem>>, vector<16xi32>,
        %get3A_579 = vector.shape_cast %get3A_578 : vector<16xi32> to vector<16xi32>
        %eq3A_580 = arith.cmpi eq, %get3A_579, %broadcast_in_dim3A_207 : vector<16xi32>
        %select_n3A_581 = arith.select %eq3A_580, %broadcast_in_dim3A_205, %broadcast_in_dim3A_207 : vector<16xi1>, vector<16xi32>
        %add3A_582 = arith.addi %add3A_576, %select_n3A_581 : vector<16xi32>
        %get3A_583 = arith.constant 1008 : index
        %get3A_584 = tpu.vector_load %arg6[%get3A_583] {strides = array<i32>} : memref<1024xi32, #tpu.memory_space<vmem>>, vector<16xi32>,
        %get3A_585 = vector.shape_cast %get3A_584 : vector<16xi32> to vector<16xi32>
        %eq3A_586 = arith.cmpi eq, %get3A_585, %broadcast_in_dim3A_207 : vector<16xi32>
        %select_n3A_587 = arith.select %eq3A_586, %broadcast_in_dim3A_205, %broadcast_in_dim3A_207 : vector<16xi1>, vector<16xi32>
        %add3A_588 = arith.addi %add3A_582, %select_n3A_587 : vector<16xi32>
        %convert_element_type3A_589 = arith.sitofp %add3A_588 : vector<16xi32> to vector<16xf32>
        %swap3A_590 = arith.constant 0 : index
        %swap3A_591 = tpu.vector_load %arg7[%swap3A_590] {strides = array<i32>} : memref<16xf32, #tpu.memory_space<vmem>>, vector<16xf32>,
        %swap3A_592 = vector.shape_cast %swap3A_591 : vector<16xf32> to vector<16xf32>
        %swap3A_593 = vector.shape_cast %convert_element_type3A_589 : vector<16xf32> to vector<16xf32>
        tpu.vector_store %arg7[%swap3A_590], %swap3A_593 {strides = array<i32>} : memref<16xf32, #tpu.memory_space<vmem>>, vector<16xf32>,
        "tpu.region"() ({
          %run_scoped3A = tpu.sem_alloc : memref<!tpu.dma_semaphore, #tpu.memory_space<semaphore_mem>>
          tpu.enqueue_dma source(%arg7 : memref<16xf32, #tpu.memory_space<vmem>>) target(%arg3 : memref<16xf32, #tpu.memory_space<hbm>>) target_semaphore(%run_scoped3A : memref<!tpu.dma_semaphore, #tpu.memory_space<semaphore_mem>>)
          tpu.wait_dma2 semaphore(%run_scoped3A : memref<!tpu.dma_semaphore, #tpu.memory_space<semaphore_mem>>) src(%arg7 : memref<16xf32, #tpu.memory_space<vmem>>) dst(%arg3 : memref<16xf32, #tpu.memory_space<hbm>>)
          tpu.yield
        }) : () -> ()
      } else {
      }
    } else {
    }
    return
  }
}

module attributes {stable_mosaic.version = 14 : i64} {
  func.func @_vq_body(%arg0: i32, %arg1: memref<2048x256xf32, #tpu.memory_space<vmem>>, %arg2: memref<1024x256xf32, #tpu.memory_space<vmem>>, %arg3: memref<2048x256xf32, #tpu.memory_space<vmem>>, %arg4: memref<1x1x2048xi32, #tpu.memory_space<vmem>>, %arg5: memref<1x1xf32, #tpu.memory_space<vmem>>) attributes {dimension_semantics = [#tpu.dimension_semantics<arbitrary>], iteration_bounds = array<i64: 4>, scalar_prefetch = 0 : i64, scratch_operands = 0 : i64, tpu.core_type = #tpu.core_type<tc>, window_params = [{transform_indices = @transform_0, window_bounds = array<i64: 2048, 256>}, {pipeline_mode = #tpu.pipeline_mode<synchronous>, transform_indices = @transform_1, window_bounds = array<i64: 1024, 256>}, {transform_indices = @transform_2, window_bounds = array<i64: 2048, 256>}, {transform_indices = @transform_3, window_bounds = array<i64: 1, 1, 2048>}, {pipeline_mode = #tpu.pipeline_mode<synchronous>, transform_indices = @transform_4, window_bounds = array<i64: 1, 1>}]} {
    %get3A = arith.constant 0 : index
    %get3A_0 = arith.constant 0 : index
    %get3A_1 = vector.load %arg1[%get3A, %get3A_0] : memref<2048x256xf32, #tpu.memory_space<vmem>>, vector<2048x256xf32>
    %get3A_2 = arith.constant 0 : index
    %get3A_3 = arith.constant 0 : index
    %get3A_4 = vector.load %arg2[%get3A_2, %get3A_3] : memref<1024x256xf32, #tpu.memory_space<vmem>>, vector<1024x256xf32>
    %integer_pow3A = arith.mulf %get3A_1, %get3A_1 : vector<2048x256xf32>
    %reduce_sum3A = arith.constant dense<0.000000e+00> : vector<2048xf32>
    %reduce_sum3A_5 = vector.multi_reduction <add>, %integer_pow3A, %reduce_sum3A [1] : vector<2048x256xf32> to vector<2048xf32>
    %broadcast_in_dim3A = vector.shape_cast %reduce_sum3A_5 : vector<2048xf32> to vector<2048x1xf32>
    %integer_pow3A_6 = arith.mulf %get3A_4, %get3A_4 : vector<1024x256xf32>
    %reduce_sum3A_7 = arith.constant dense<0.000000e+00> : vector<1024xf32>
    %reduce_sum3A_8 = vector.multi_reduction <add>, %integer_pow3A_6, %reduce_sum3A_7 [1] : vector<1024x256xf32> to vector<1024xf32>
    %dot_general3A = arith.constant dense<0.000000e+00> : vector<2048x1024xf32>
    %dot_general3A_9 = tpu.matmul %get3A_1, %get3A_4, %dot_general3A {dimension_numbers = #tpu.dot_dimension_numbers<[1], [1], [0], [0], [0, 0, 1, 0], [], []>, transpose_lhs_hint = false} : vector<2048x256xf32>, vector<1024x256xf32>, vector<2048x1024xf32> -> vector<2048x1024xf32>
    %broadcast_in_dim3A_10 = vector.shape_cast %reduce_sum3A_8 : vector<1024xf32> to vector<1x1024xf32>
    %add3A = vector.broadcast %broadcast_in_dim3A : vector<2048x1xf32> to vector<2048x1024xf32>
    %add3A_11 = vector.broadcast %broadcast_in_dim3A_10 : vector<1x1024xf32> to vector<2048x1024xf32>
    %add3A_12 = arith.addf %add3A, %add3A_11 : vector<2048x1024xf32>
    %mul3A = arith.constant 2.000000e+00 : f32
    %mul3A_13 = vector.broadcast %mul3A : f32 to vector<2048x1024xf32>
    %mul3A_14 = arith.mulf %mul3A_13, %dot_general3A_9 : vector<2048x1024xf32>
    %sub3A = arith.subf %add3A_12, %mul3A_14 : vector<2048x1024xf32>
    %reduce_min3A = arith.constant dense<0x7F800000> : vector<2048xf32>
    %reduce_min3A_15 = vector.multi_reduction <minimumf>, %sub3A, %reduce_min3A [1] : vector<2048x1024xf32> to vector<2048xf32>
    %broadcast_in_dim3A_16 = vector.shape_cast %reduce_min3A_15 : vector<2048xf32> to vector<2048x1xf32>
    %iota3A = tpu.iota {dimensions = array<i32: 1>} : vector<2048x1024xi32>
    %eq3A = vector.broadcast %broadcast_in_dim3A_16 : vector<2048x1xf32> to vector<2048x1024xf32>
    %eq3A_17 = arith.cmpf oeq, %sub3A, %eq3A : vector<2048x1024xf32>
    %jit3A = arith.constant 1024 : i32
    %broadcast_in_dim3A_18 = vector.broadcast %jit3A : i32 to vector<2048x1024xi32>
    %select_n3A = arith.select %eq3A_17, %iota3A, %broadcast_in_dim3A_18 : vector<2048x1024xi1>, vector<2048x1024xi32>
    %reduce_min3A_19 = arith.constant dense<2147483647> : vector<2048xi32>
    %reduce_min3A_20 = vector.multi_reduction <minsi>, %select_n3A, %reduce_min3A_19 [1] : vector<2048x1024xi32> to vector<2048xi32>
    %reshape3A = vector.shape_cast %reduce_min3A_20 : vector<2048xi32> to vector<1x1x2048xi32>
    %swap3A = arith.constant 0 : index
    %swap3A_21 = arith.constant 0 : index
    %swap3A_22 = arith.constant 0 : index
    %swap3A_23 = vector.load %arg4[%swap3A, %swap3A_21, %swap3A_22] : memref<1x1x2048xi32, #tpu.memory_space<vmem>>, vector<1x1x2048xi32>
    tpu.vector_store %arg4[%swap3A, %swap3A_21, %swap3A_22], %reshape3A {strides = array<i32>} : memref<1x1x2048xi32, #tpu.memory_space<vmem>>, vector<1x1x2048xi32>,
    %broadcast_in_dim3A_24 = vector.shape_cast %reduce_min3A_20 : vector<2048xi32> to vector<2048x1xi32>
    %eq3A_25 = vector.broadcast %broadcast_in_dim3A_24 : vector<2048x1xi32> to vector<2048x1024xi32>
    %eq3A_26 = arith.cmpi eq, %iota3A, %eq3A_25 : vector<2048x1024xi32>
    %convert_element_type3A = arith.extui %eq3A_26 : vector<2048x1024xi1> to vector<2048x1024xi32>
    %convert_element_type3A_27 = arith.sitofp %convert_element_type3A : vector<2048x1024xi32> to vector<2048x1024xf32>
    %dot_general3A_28 = arith.constant dense<0.000000e+00> : vector<2048x256xf32>
    %dot_general3A_29 = tpu.matmul %convert_element_type3A_27, %get3A_4, %dot_general3A_28 {dimension_numbers = #tpu.dot_dimension_numbers<[1], [0], [0], [1], [0, 0, 1, 1], [], []>, transpose_lhs_hint = false} : vector<2048x1024xf32>, vector<1024x256xf32>, vector<2048x256xf32> -> vector<2048x256xf32>
    %sub3A_30 = arith.subf %dot_general3A_29, %get3A_1 : vector<2048x256xf32>
    %add3A_31 = arith.addf %get3A_1, %sub3A_30 : vector<2048x256xf32>
    %swap3A_32 = arith.constant 0 : index
    %swap3A_33 = arith.constant 0 : index
    %swap3A_34 = vector.load %arg3[%swap3A_32, %swap3A_33] : memref<2048x256xf32, #tpu.memory_space<vmem>>, vector<2048x256xf32>
    tpu.vector_store %arg3[%swap3A_32, %swap3A_33], %add3A_31 {strides = array<i32>} : memref<2048x256xf32, #tpu.memory_space<vmem>>, vector<2048x256xf32>,
    %eq3A_35 = arith.constant 0 : i32
    %eq3A_36 = arith.cmpi eq, %arg0, %eq3A_35 : i32
    %convert_element_type3A_37 = arith.extui %eq3A_36 : i1 to i32
    %cond3A = arith.constant 0 : i32
    %cond3A_38 = arith.cmpi ne, %convert_element_type3A_37, %cond3A : i32
    scf.if %cond3A_38 {
      %broadcast_in_dim3A_52 = arith.constant 0.000000e+00 : f32
      %broadcast_in_dim3A_53 = vector.broadcast %broadcast_in_dim3A_52 : f32 to vector<1x1xf32>
      %swap3A_54 = arith.constant 0 : index
      %swap3A_55 = arith.constant 0 : index
      %swap3A_56 = vector.load %arg5[%swap3A_54, %swap3A_55] : memref<1x1xf32, #tpu.memory_space<vmem>>, vector<1x1xf32>
      tpu.vector_store %arg5[%swap3A_54, %swap3A_55], %broadcast_in_dim3A_53 {strides = array<i32>} : memref<1x1xf32, #tpu.memory_space<vmem>>, vector<1x1xf32>,
    } else {
    }
    %get3A_39 = arith.constant 0 : index
    %get3A_40 = arith.constant 0 : index
    %get3A_41 = vector.load %arg5[%get3A_39, %get3A_40] : memref<1x1xf32, #tpu.memory_space<vmem>>, vector<1x1xf32>
    %reduce_sum3A_42 = vector.shape_cast %broadcast_in_dim3A_16 : vector<2048x1xf32> to vector<1x2048x1xf32>
    %reduce_sum3A_43 = arith.constant dense<0.000000e+00> : vector<1xf32>
    %reduce_sum3A_44 = vector.multi_reduction <add>, %reduce_sum3A_42, %reduce_sum3A_43 [1, 2] : vector<1x2048x1xf32> to vector<1xf32>
    %reduce_sum3A_45 = vector.shape_cast %reduce_sum3A_44 : vector<1xf32> to vector<1x1x1xf32>
    %reduce_sum3A_46 = vector.extract %reduce_sum3A_45[0, 0, 0] : f32 from vector<1x1x1xf32>
    %reshape3A_47 = vector.broadcast %reduce_sum3A_46 : f32 to vector<1x1xf32>
    %add3A_48 = arith.addf %get3A_41, %reshape3A_47 : vector<1x1xf32>
    %swap3A_49 = arith.constant 0 : index
    %swap3A_50 = arith.constant 0 : index
    %swap3A_51 = vector.load %arg5[%swap3A_49, %swap3A_50] : memref<1x1xf32, #tpu.memory_space<vmem>>, vector<1x1xf32>
    tpu.vector_store %arg5[%swap3A_49, %swap3A_50], %add3A_48 {strides = array<i32>} : memref<1x1xf32, #tpu.memory_space<vmem>>, vector<1x1xf32>,
    return
  }
  func.func @transform_0(%arg0: i32) -> (i32, i32) {
    %c0_i32 = arith.constant 0 : i32
    %c0_i32_0 = arith.constant 0 : i32
    return %arg0, %c0_i32 : i32, i32
  }
  func.func @transform_1(%arg0: i32) -> (i32, i32) {
    %c0_i32 = arith.constant 0 : i32
    %c0_i32_0 = arith.constant 0 : i32
    %c0_i32_1 = arith.constant 0 : i32
    return %c0_i32, %c0_i32_0 : i32, i32
  }
  func.func @transform_2(%arg0: i32) -> (i32, i32) {
    %c0_i32 = arith.constant 0 : i32
    %c0_i32_0 = arith.constant 0 : i32
    return %arg0, %c0_i32 : i32, i32
  }
  func.func @transform_3(%arg0: i32) -> (i32, i32, i32) {
    %c0_i32 = arith.constant 0 : i32
    %c0_i32_0 = arith.constant 0 : i32
    %c0_i32_1 = arith.constant 0 : i32
    return %arg0, %c0_i32, %c0_i32_0 : i32, i32, i32
  }
  func.func @transform_4(%arg0: i32) -> (i32, i32) {
    %c0_i32 = arith.constant 0 : i32
    %c0_i32_0 = arith.constant 0 : i32
    %c0_i32_1 = arith.constant 0 : i32
    return %c0_i32, %c0_i32_0 : i32, i32
  }
}

</mosaic_0001>

<sc_bundles>
// kernel: kernel.4.cloned.1.call-start
scs
__scs_entry_jumppad:
0x0: {  	(pc) =	sbr.rel $0x88, $3  }
0x1: {  	(tag) =	ssettag $0x0;
	lr =	simm.s32 $0x1  }
0x2: {  	[smem:$0x3F9F] =	sst lr;
	_ =	strace $0xD0000000  }
0x3: {  	_ = 	snop  }
0x4: {  	_ = 	snop  }
0x5: {  	_ = 	snop  }
0x6: {  	_ = 	snop  }
0x7: {  	_ = 	snop  }
__scs_overlays_trampoline_lowered:
0x8: {  	[smem:$0x3FAE] =	sst s0  }
0x9: {  	[smem:$0x3FAF] =	sst s1  }
0xa: {  	[smem:$0x3FB0] =	sst s2  }
0xb: {  	[smem:$0x3FB1] =	sst s3  }
0xc: {  	[smem:$0x3FB2] =	sst s4  }
0xd: {  	[smem:$0x3FB3] =	sst s5  }
0xe: {  	[smem:$0x3FB4] =	sst s6  }
0xf: {  	[smem:$0x3FB5] =	sst s7  }
0x10: {  	[smem:$0x3FB6] =	sst s8  }
0x11: {  	[smem:$0x3FB7] =	sst s9;
	s0 =	simm.s32 @!p0 $0x0  }
0x12: {  	s1 =	sld [smem:$0x3F9D];
	s0 =	simm.s32 @p0 $0x1  }
0x13: {  	[smem:$0x3FB8] =	sst s0;
	s0 =	simm.s32 @!p1 $0x0  }
0x14: {  	s2 =	sld [smem:$0x3F9C];
	s0 =	simm.s32 @p1 $0x1  }
0x15: {  	[smem:$0x3FB9] =	sst s0;
	s0 =	simm.s32 @!p2 $0x0  }
0x16: {  	s3 =	sld [smem:$0x3FDB];
	s0 =	simm.s32 @p2 $0x1  }
0x17: {  	s4 =	simm.s32 $0x1BF5;
	[smem:$0x3FBB] =	sst s0  }
0x18: {  	s0 =	sld [smem:$0x3F9E];
	_ =	swait.ge [sflag:s4], $0x0  }
0x19: {  	s7 =	sld [smem:$0x3F9F]  }
0x1a: {  	s8 =	sadd.s32 $0xFFFFE003, lr  }
0x1b: {  	s9 =	sadd.s32 $0xFFFFFEF7, lr;
	s5 =	simm.s32 $0xFFFFFFFF;
	p2 =	slt.u32 s8, $0xFFFFF086  }
0x1c: {  	p1 =	slt.u32 s9, $0xF7A;
	s5 =	simm.s32 @!p2 $0x0  }
0x1d: {  	s5 =	simm.s32 @p1 $0x1;
	p0 =	seq.s32 s7, s2  }
0x1e: {  	s7 =	smul.u32 @!p0 $0xF7A, s2;
	p2 =	seq.s32 @!p0 s5, $0x0  }
0x1f: {  	s9 =	smul.u32 $0xF7A, s1;
	s8 =	simm.s32 @!p0 $0x1BF5;
	p2 =	por !p2, p0  }
0x20: {  	[sflag:s8] =	ssyncset.s32 @!p0 $0xFFFFF086;
	s6 =	sadd.s32 @!p0 s3, s7;
	s7 =	simm.s32 @!p0 $0x108  }
0x21: {  	s3 =	sadd.s32 s3, s9;
	s6 =	sadd.s32 @!p0 $0x88, s6;
	s7 =	simm.s32 @p2 $0x1082  }
0x22: {  	[simem:s7], [sflag:s8] =	dma.local @!p0 [hbm:s6], $0xF7A  }
0x23: {  	s9 =	sor.u32 $0xD0000000, s2;
	s6 =	simm.s32 $0x108;
	_ =	swait.ge @!p0 [sflag:s8], $0x0  }
0x24: {  	s3 =	sadd.s32 $0x88, s3;
	s6 =	simm.s32 @!p1 $0x1082;
	[sflag:s4] =	ssyncset.s32 $0xFFFFF086  }
0x25: {  	[simem:s6], [sflag:s4] =	dma.local [hbm:s3], $0xF7A  }
0x26: {  	[smem:$0x3F9F] =	sst s1;
	(tag) =	ssettag s2;
	_ =	strace s9  }
0x27: {  	s1 =	sld [smem:$0x3FAF]  }
0x28: {  	s2 =	sld [smem:$0x3FB0]  }
0x29: {  	s4 =	sld [smem:$0x3FB2]  }
0x2a: {  	p0 =	seq.s32 s5, $0x0;
	s5 =	sld [smem:$0x3FB3]  }
0x2b: {  	s6 =	sld [smem:$0x3FB4]  }
0x2c: {  	s7 =	sld [smem:$0x3FB5]  }
0x2d: {  	s3 =	simm.s32 $0x108;
	s8 =	sld [smem:$0x3FB6]  }
0x2e: {  	s3 =	simm.s32 @!p0 $0x1082;
	s9 =	sld [smem:$0x3FB7]  }
0x2f: {  	lr =	sadd.s32 s0, s3;
	s0 =	sld [smem:$0x3FAE]  }
0x30: {  	s3 =	sld [smem:$0x3FB1]  }
0x31: {  	[smem:$0x3FBA] =	sst s10  }
0x32: {  	s10 =	sld [smem:$0x3FB8];
	_ =	sdelay $0x3  }
0x33: {  	p0 =	seq.s32 s10, $0x1;
	s10 =	sld [smem:$0x3FBA];
	_ =	sdelay $0x3  }
0x34: {  	[smem:$0x3FBA] =	sst s10  }
0x35: {  	s10 =	sld [smem:$0x3FB9];
	_ =	sdelay $0x3  }
0x36: {  	p1 =	seq.s32 s10, $0x1;
	s10 =	sld [smem:$0x3FBA];
	_ =	sdelay $0x3  }
0x37: {  	[smem:$0x3FBA] =	sst s10  }
0x38: {  	s10 =	sld [smem:$0x3FBB]  }
0x39: {  	_ = 	snop;
	(pc) =	sbr.ind lr, $3  }
0x3a: {  	_ = 	snop  }
0x3b: {  	_ = 	snop  }
0x3c: {  	p2 =	seq.s32 s10, $0x1;
	s10 =	sld [smem:$0x3FBA]  }
0x3d: {  	_ =	shalt  }
0x3e: {  	_ =	shalt  }
0x3f: {  	_ =	shalt  }
0x40: {  	_ =	shalt  }
0x41: {  	_ =	shalt  }
0x42: {  	_ =	shalt  }
0x43: {  	_ =	shalt  }
0x44: {  	_ =	shalt  }
0x45: {  	_ =	shalt  }
0x46: {  	_ =	shalt  }
0x47: {  	_ =	shalt  }
0x48: {  	_ =	shalt  }
0x49: {  	_ =	shalt  }
0x4a: {  	_ =	shalt  }
0x4b: {  	_ =	shalt  }
0x4c: {  	_ =	shalt  }
0x4d: {  	_ =	shalt  }
0x4e: {  	_ =	shalt  }
0x4f: {  	_ =	shalt  }
0x50: {  	_ =	shalt  }
0x51: {  	_ =	shalt  }
0x52: {  	_ =	shalt  }
0x53: {  	_ =	shalt  }
0x54: {  	_ =	shalt  }
0x55: {  	_ =	shalt  }
0x56: {  	_ =	shalt  }
0x57: {  	_ =	shalt  }
0x58: {  	_ =	shalt  }
0x59: {  	_ =	shalt  }
0x5a: {  	_ =	shalt  }
0x5b: {  	_ =	shalt  }
0x5c: {  	_ =	shalt  }
0x5d: {  	_ =	shalt  }
0x5e: {  	_ =	shalt  }
0x5f: {  	_ =	shalt  }
0x60: {  	_ =	shalt  }
0x61: {  	_ =	shalt  }
0x62: {  	_ =	shalt  }
0x63: {  	_ =	shalt  }
0x64: {  	_ =	shalt  }
0x65: {  	_ =	shalt  }
0x66: {  	_ =	shalt  }
0x67: {  	_ =	shalt  }
0x68: {  	_ =	shalt  }
0x69: {  	_ =	shalt  }
0x6a: {  	_ =	shalt  }
0x6b: {  	_ =	shalt  }
0x6c: {  	_ =	shalt  }
0x6d: {  	_ =	shalt  }
0x6e: {  	_ =	shalt  }
0x6f: {  	_ =	shalt  }
0x70: {  	_ =	shalt  }
0x71: {  	_ =	shalt  }
0x72: {  	_ =	shalt  }
0x73: {  	_ =	shalt  }
0x74: {  	_ =	shalt  }
0x75: {  	_ =	shalt  }
0x76: {  	_ =	shalt  }
0x77: {  	_ =	shalt  }
0x78: {  	_ =	shalt  }
0x79: {  	_ =	shalt  }
0x7a: {  	_ =	shalt  }
0x7b: {  	_ =	shalt  }
0x7c: {  	_ =	shalt  }
0x7d: {  	_ =	shalt  }
0x7e: {  	_ =	shalt  }
0x7f: {  	_ =	shalt  }
0x80: {  	_ =	shalt  }
0x81: {  	_ =	shalt  }
0x82: {  	_ =	shalt  }
0x83: {  	_ =	shalt  }
0x84: {  	_ =	shalt  }
0x85: {  	_ =	shalt  }
0x86: {  	_ =	shalt  }
0x87: {  	_ =	shalt  }
.Lfunc_end0:
.L_simem_size_0:
called_computation_lowered:
.L_overlay_start_0:
0x88: {  	s2 =	sld [smem:$0x3FD9]  }
0x89: {  	s3 =	sld [smem:$0x3FFE];
	_ =	sdelay $0x1  }
0x8a: {  	s1 =	srdreg.scid  }
0x8b: {  	s0 =	sand.u32 $0x1, s1  }
0x8c: {  	s16 =	sshll.u32 s0, $0xA;
	s2 =	sadd.s32 s3, s2  }
0x8d: {  	s2 =	sadd.s32 s2, s16  }
0x8e: {  	[smem:$0x3FC6] =	sst s2  }
0x8f: {  	_ = 	snop  }
0x90: {  	(tm) =	ssettm $0x1  }
0x91: {  	s17 =	sld [smem:$0x3FFB];
	_ =	sdelay $0x3  }
0x92: {  	_ =	strace s17  }
0x93: {  	s2 =	sld [smem:$0x3FFC];
	_ =	sdelay $0x3  }
0x94: {  	_ =	strace s2  }
0x95: {  	s2 =	sld [smem:$0x3FFD];
	_ =	sdelay $0x3  }
0x96: {  	_ =	strace s2  }
0x97: {  	_ =	strace $0x8FFFFFFF  }
0x98: {  	s18 =	sld [smem:$0x3FDB];
	_ =	sdelay $0x1  }
0x99: {  	s19 =	simm.s32 $_scs_section_size  }
0x9a: {  	s4 =	simm.s32 $_size__tile_overlayer_lowered;
	s5 =	simm.s32 $_tile_overlayer_lowered  }
0x9b: {  	s22 =	simm.s32 $0x1BFF;
	s21 =	sshll.u32 s5, $0x1;
	s2 =	sadd.s32 s19, s18  }
0x9c: {  	s6 =	simm.s32 $0x0;
	s20 =	sshll.u32 s4, $0x1;
	s4 =	sadd.s32 s21, s2  }
0x9d: {  	[timem:s6], [sflag:s22] =	dma.local [hbm:s4], s20  }
0x9e: {  	_ =	swait.ge [sflag:s22], s20  }
0x9f: {  	s3 =	ssub.s32 $0x0, s20;
	[sflag:s22] =	ssyncset.done $0x0  }
0xa0: {  	[sflag:s22] =	ssyncadd.s32 s3;
	_ =	sdelay $0x1  }
0xa1: {  	s23 =	simm.s32 $0x1B8B  }
0xa2: {  	_ =	swait.ge [sflag:s23], $0x1  }
0xa3: {  	[sflag:s23] =	ssyncset.done $0x0  }
0xa4: {  	s25 =	simm.s32 $0x1B8E;
	s24 =	sld [smem:$0x3FFE];
	[sflag:s23] =	ssyncadd.s32 $0xFFFFFFFF  }
0xa5: {  	s26 =	simm.s32 $execute0_lowered;
	[smem:$0x3FD2] =	sst s25  }
0xa6: {  	s4 =	sshll.u32 s26, $0x1;
	_ =	strace $0x80000046;
	[dreg:$0x1] =	wrdreg $0xFFFFFFFF  }
0xa7: {  	s28 =	simm.s32 $_size_execute0_lowered;
	s2 =	sadd.s32 s2, s4;
	[dreg:$0x0] =	wrdreg $0x0  }
0xa8: {  	s4 =	sshll.u32 s28, $0x1;
	[dreg:$0x2] =	wrdreg s2  }
0xa9: {  	[dreg:$0x3] =	wrdreg s4  }
0xaa: {  	[dreg:$0x4] =	wrdreg $0xC0  }
0xab: {  	_ =	task [dreg:s6], $0x5FFFF  }
0xac: {  	[dreg:$0x1] =	wrdreg $0xFFFFFFFF  }
0xad: {  	[dreg:$0x0] =	wrdreg $0x60  }
0xae: {  	[dreg:$0x2] =	wrdreg s24  }
0xaf: {  	[dreg:$0x3] =	wrdreg $0x8800  }
0xb0: {  	[dreg:$0x4] =	wrdreg $0x9  }
0xb1: {  	_ =	task.clear_ibuf [dreg:s6], $0x5FFFF;
	_ =	strace $0x90000046  }
0xb2: {  	s29 =	simm.s32 $0x9;
	_ =	strace $0x80000048  }
0xb3: {  	_ =	swait.ge [sflag:s29], $0x1  }
0xb4: {  	[sflag:s29] =	ssyncadd.s32 $0xFFFFFFFF  }
0xb5: {  	_ =	strace $0x90000048  }
0xb6: {  	_ =	sfence  }
0xb7: {  	s30 =	sld [smem:$0x0];
	_ =	sdelay $0x2  }
0xb8: {  	s31 =	sshll.u32 s1, $0xD;
	s1 =	sshrl.u32 s1, $0x2  }
0xb9: {  	s3 =	sand.u32 $0x4000, s31;
	s1 =	sadd.s32 s1, s30  }
0xba: {  	s0 =	sor.u32 s3, s0;
	s1 =	sshll.u32 s1, $0x11  }
0xbb: {  	s0 =	sor.u32 s1, s0  }
0xbc: {  	s0 =	sadd.s32 $0x8F2B, s0  }
0xbd: {  	[sflag:s0] =	ssyncadd.remote.s32 $0x1  }
0xbe: {  	_ =	sfence.sel $0xFFFF  }
0xbf: {  	[dreg:$0x0] =	wrdreg $0xFFFFFFFF;
	(pc) =	sbr.abs _section_cstart, $3  }
0xc0: {  	[dreg:$0x1] =	wrdreg $0xFFFFFFFF  }
0xc1: {  	_ =	task.clear_ibuf [dreg:s6], $0x2FFFF;
	_ =	strace $0x9FFFFFFF  }
0xc2: {  	(tm) =	ssettm $0x7FFFFFFF  }
0xc3: {  	_ =	shalt  }
tec
execute0_lowered:
.L_overlay_start_1:
0x0: {  	(tag) =	ssettag $0x1  }
0x1: {  	s4 =	srdreg.scid  }
0x2: {  	s5 =	sand.u32 $0x1, s4  }
0x3: {  	p1 =	seq.s32 s5, $0x1  }
.Ltmp0:
0x4: {  	_ = 	snop;
	(pc) =	sbr.rel @p1 .LBB2_5-.Ltmp0, $4  }
0x5: {  	s1 =	rddreg [dreg:$0x0]  }
0x6: {  	s3 =	rddreg [dreg:$0x1];
	s2 =	simm.s32 $0x0  }
0x7: {  	[smem:$0x7FF] =	sst s2;
	s4 =	stileid.u32  }
0x8: {  	s0 =	rddreg [dreg:$0x2];
	_ =	strace $0x80000047;
	p0 =	sne.s32 s4, $0x0  }
0x9: {  	s5 =	sadd.s32 $0x200, s1;
	s4 =	sshll.u32 s4, $0x6  }
0xa: {  	s4 =	sadd.s32 s5, s4  }
0xb: {  	[tilespmem:s2], [sflag:$0x1] =	stream.linear.gather [hbm4b:s4+s2], $0x200, $0x38;
	[tilespmem:$0x8C0] =	vst v63  }
.Ltmp1:
0xc: {  	_ = 	snop;
	(pc) =	sbr.rel @p0 .LBB2_3-.Ltmp1, $4  }
0xd: {  	s4 =	simm.s32 $0x1  }
0xe: {  	_ =	swait.ge [sflag:s4], $0x200  }
0xf: {  	[sflag:s4] =	ssyncset.done $0x0  }
0x10: {  	[sflag:s4] =	ssyncadd.s32 $0xFFFFFE00  }
0x11: {  	v0 =	vimm.s32 $0x0  }
0x12: {  	[tilespmem:$0x400] =	vst v0  }
0x13: {  	[tilespmem:$0x410] =	vst v0  }
0x14: {  	[tilespmem:$0x420] =	vst v0  }
0x15: {  	[tilespmem:$0x430] =	vst v0  }
0x16: {  	[tilespmem:$0x440] =	vst v0  }
0x17: {  	[tilespmem:$0x450] =	vst v0  }
0x18: {  	[tilespmem:$0x460] =	vst v0  }
0x19: {  	[tilespmem:$0x470] =	vst v0  }
0x1a: {  	[tilespmem:$0x480] =	vst v0  }
0x1b: {  	[tilespmem:$0x490] =	vst v0  }
0x1c: {  	[tilespmem:$0x4A0] =	vst v0  }
0x1d: {  	[tilespmem:$0x4B0] =	vst v0  }
0x1e: {  	[tilespmem:$0x4C0] =	vst v0  }
0x1f: {  	[tilespmem:$0x4D0] =	vst v0  }
0x20: {  	[tilespmem:$0x4E0] =	vst v0  }
0x21: {  	[tilespmem:$0x4F0] =	vst v0  }
0x22: {  	[tilespmem:$0x500] =	vst v0  }
0x23: {  	[tilespmem:$0x510] =	vst v0  }
0x24: {  	[tilespmem:$0x520] =	vst v0  }
0x25: {  	[tilespmem:$0x530] =	vst v0  }
0x26: {  	[tilespmem:$0x540] =	vst v0  }
0x27: {  	[tilespmem:$0x550] =	vst v0  }
0x28: {  	[tilespmem:$0x560] =	vst v0  }
0x29: {  	[tilespmem:$0x570] =	vst v0  }
0x2a: {  	[tilespmem:$0x580] =	vst v0  }
0x2b: {  	[tilespmem:$0x590] =	vst v0  }
0x2c: {  	[tilespmem:$0x5A0] =	vst v0  }
0x2d: {  	[tilespmem:$0x5B0] =	vst v0  }
0x2e: {  	[tilespmem:$0x5C0] =	vst v0  }
0x2f: {  	[tilespmem:$0x5D0] =	vst v0  }
0x30: {  	[tilespmem:$0x5E0] =	vst v0  }
0x31: {  	[tilespmem:$0x5F0] =	vst v0  }
0x32: {  	[tilespmem:$0x600] =	vst v0  }
0x33: {  	[tilespmem:$0x610] =	vst v0  }
0x34: {  	[tilespmem:$0x620] =	vst v0  }
0x35: {  	[tilespmem:$0x630] =	vst v0  }
0x36: {  	[tilespmem:$0x640] =	vst v0  }
0x37: {  	[tilespmem:$0x650] =	vst v0  }
0x38: {  	[tilespmem:$0x660] =	vst v0  }
0x39: {  	[tilespmem:$0x670] =	vst v0  }
0x3a: {  	[tilespmem:$0x680] =	vst v0  }
0x3b: {  	[tilespmem:$0x690] =	vst v0  }
0x3c: {  	[tilespmem:$0x6A0] =	vst v0  }
0x3d: {  	[tilespmem:$0x6B0] =	vst v0  }
0x3e: {  	[tilespmem:$0x6C0] =	vst v0  }
0x3f: {  	[tilespmem:$0x6D0] =	vst v0  }
0x40: {  	[tilespmem:$0x6E0] =	vst v0  }
0x41: {  	[tilespmem:$0x6F0] =	vst v0  }
0x42: {  	[tilespmem:$0x700] =	vst v0  }
0x43: {  	[tilespmem:$0x710] =	vst v0  }
0x44: {  	[tilespmem:$0x720] =	vst v0  }
0x45: {  	[tilespmem:$0x730] =	vst v0  }
0x46: {  	[tilespmem:$0x740] =	vst v0  }
0x47: {  	[tilespmem:$0x750] =	vst v0  }
0x48: {  	[tilespmem:$0x760] =	vst v0  }
0x49: {  	[tilespmem:$0x770] =	vst v0  }
0x4a: {  	[tilespmem:$0x780] =	vst v0  }
0x4b: {  	[tilespmem:$0x790] =	vst v0  }
0x4c: {  	[tilespmem:$0x7A0] =	vst v0  }
0x4d: {  	[tilespmem:$0x7B0] =	vst v0  }
0x4e: {  	[tilespmem:$0x7C0] =	vst v0  }
0x4f: {  	[tilespmem:$0x7D0] =	vst v0  }
0x50: {  	[tilespmem:$0x7E0] =	vst v0  }
0x51: {  	s2 =	simm.s32 $0x400;
	[tilespmem:$0x7F0] =	vst v0  }
0x52: {  	[spmem:s3] =	stream.linear.scatter [tilespmem:s2], [sflag:$0x1], $0x400, $0x38;
	[tilespmem:$0x8C0] =	vst v63  }
0x53: {  	_ =	swait.ge [sflag:s4], $0x400  }
0x54: {  	[sflag:s4] =	ssyncset.done $0x0  }
0x55: {  	[sflag:s4] =	ssyncadd.s32 $0xFFFFFC00  }
.LBB2_3:
0x56: {  	v0 =	vimm.s32 $0x1  }
0x57: {  	[tilespmem:$0x200] =	vst v0  }
0x58: {  	[tilespmem:$0x210] =	vst v0  }
0x59: {  	[tilespmem:$0x220] =	vst v0  }
0x5a: {  	[tilespmem:$0x230] =	vst v0  }
0x5b: {  	[tilespmem:$0x240] =	vst v0  }
0x5c: {  	[tilespmem:$0x250] =	vst v0  }
0x5d: {  	[tilespmem:$0x260] =	vst v0  }
0x5e: {  	[tilespmem:$0x270] =	vst v0  }
0x5f: {  	[tilespmem:$0x280] =	vst v0  }
0x60: {  	[tilespmem:$0x290] =	vst v0  }
0x61: {  	[tilespmem:$0x2A0] =	vst v0  }
0x62: {  	[tilespmem:$0x2B0] =	vst v0  }
0x63: {  	[tilespmem:$0x2C0] =	vst v0  }
0x64: {  	[tilespmem:$0x2D0] =	vst v0  }
0x65: {  	[tilespmem:$0x2E0] =	vst v0  }
0x66: {  	[tilespmem:$0x2F0] =	vst v0  }
0x67: {  	[tilespmem:$0x300] =	vst v0  }
0x68: {  	[tilespmem:$0x310] =	vst v0  }
0x69: {  	[tilespmem:$0x320] =	vst v0  }
0x6a: {  	[tilespmem:$0x330] =	vst v0  }
0x6b: {  	[tilespmem:$0x340] =	vst v0  }
0x6c: {  	[tilespmem:$0x350] =	vst v0  }
0x6d: {  	[tilespmem:$0x360] =	vst v0  }
0x6e: {  	[tilespmem:$0x370] =	vst v0  }
0x6f: {  	[tilespmem:$0x380] =	vst v0  }
0x70: {  	[tilespmem:$0x390] =	vst v0  }
0x71: {  	[tilespmem:$0x3A0] =	vst v0  }
0x72: {  	[tilespmem:$0x3B0] =	vst v0  }
0x73: {  	[tilespmem:$0x3C0] =	vst v0  }
0x74: {  	[tilespmem:$0x3D0] =	vst v0  }
0x75: {  	[tilespmem:$0x3E0] =	vst v0  }
0x76: {  	[tilespmem:$0x3F0] =	vst v0  }
0x77: {  	s2 =	simm.s32 $0x0;
	s5 =	simm.s32 $0x200;
	[bflag:$0x0] =	sbarrier.arrive $0xFFFF  }
0x78: {  	[spmem:s3] =	stream.indirect.scatter.add.s32 [tilespmem:s5], [sflag:$0x1], $0x1, s2, s5, $0xb8;
	[tilespmem:$0x8C0] =	vst v63  }
.Ltmp2:
0x79: {  	_ =	swait.ge [sflag:s4], $0x200;
	(pc) =	sbr.rel @p0 .LBB2_5-.Ltmp2, $3  }
0x7a: {  	[sflag:s4] =	ssyncset.done $0x0  }
0x7b: {  	[sflag:s4] =	ssyncadd.s32 $0xFFFFFE00  }
0x7c: {  	[bflag:$0x0] =	sbarrier.arrive $0xFFFF;
	_ =	sdelay $0x1  }
0x7d: {  	s4 =	simm.s32 $0x400;
	s30 =	simm.s32 $0x1  }
0x7e: {  	[tilespmem:s4], [sflag:$0x1] =	stream.linear.gather [spmem:s3], $0x400, $0x38;
	[tilespmem:$0x8C0] =	vst v63  }
0x7f: {  	_ =	swait.ge [sflag:s30], $0x400  }
0x80: {  	[sflag:s30] =	ssyncset.done $0x0  }
0x81: {  	[sflag:s30] =	ssyncadd.s32 $0xFFFFFC00  }
0x82: {  	v0 =	vld [tilespmem:$0x400]  }
0x83: {  	v1 =	vld [tilespmem:$0x410]  }
0x84: {  	v2 =	vld [tilespmem:$0x420]  }
0x85: {  	v3 =	vld [tilespmem:$0x430]  }
0x86: {  	v4 =	vld [tilespmem:$0x440]  }
0x87: {  	v5 =	vld [tilespmem:$0x450]  }
0x88: {  	v55 =	vld [tilespmem:$0x460];
	vm0 =	veq.s32 v0, $0x0;
	v0 =	vimm.s32 $0x0;
	vm1 =	veq.s32 v1, $0x0  }
0x89: {  	v56 =	vld [tilespmem:$0x470];
	vm14 =	veq.s32 v2, $0x0;
	v6 =	vsel vm0, $0x1, v0;
	v7 =	vsel vm1, $0x1, v0  }
0x8a: {  	v58 =	vld [tilespmem:$0x480];
	vm15 =	veq.s32 v3, $0x0;
	v57 =	vsel vm14, $0x1, v0;
	v6 =	vadd.s32 v6, v7  }
0x8b: {  	v60 =	vld [tilespmem:$0x490];
	vm4 =	veq.s32 v4, $0x0;
	v59 =	vsel vm15, $0x1, v0;
	v6 =	vadd.s32 v57, v6  }
0x8c: {  	v62 =	vld [tilespmem:$0x4A0];
	vm5 =	veq.s32 v5, $0x0;
	v61 =	vsel vm4, $0x1, v0;
	v6 =	vadd.s32 v59, v6  }
0x8d: {  	v9 =	vld [tilespmem:$0x4B0];
	vm6 =	veq.s32 v55, $0x0;
	v63 =	vsel vm5, $0x1, v0;
	v6 =	vadd.s32 v61, v6  }
0x8e: {  	v11 =	vld [tilespmem:$0x4C0];
	vm7 =	veq.s32 v56, $0x0;
	v10 =	vsel vm6, $0x1, v0;
	v6 =	vadd.s32 v63, v6  }
0x8f: {  	v13 =	vld [tilespmem:$0x4D0];
	vm8 =	veq.s32 v58, $0x0;
	v12 =	vsel vm7, $0x1, v0;
	v6 =	vadd.s32 v10, v6  }
0x90: {  	v15 =	vld [tilespmem:$0x4E0];
	vm9 =	veq.s32 v60, $0x0;
	v14 =	vsel vm8, $0x1, v0;
	v6 =	vadd.s32 v12, v6  }
0x91: {  	v17 =	vld [tilespmem:$0x4F0];
	vm10 =	veq.s32 v62, $0x0;
	v16 =	vsel vm9, $0x1, v0;
	v6 =	vadd.s32 v14, v6  }
0x92: {  	v19 =	vld [tilespmem:$0x500];
	vm11 =	veq.s32 v9, $0x0;
	v18 =	vsel vm10, $0x1, v0;
	v6 =	vadd.s32 v16, v6  }
0x93: {  	v21 =	vld [tilespmem:$0x510];
	vm12 =	veq.s32 v11, $0x0;
	v20 =	vsel vm11, $0x1, v0;
	v6 =	vadd.s32 v18, v6  }
0x94: {  	v23 =	vld [tilespmem:$0x520];
	vm13 =	veq.s32 v13, $0x0;
	v22 =	vsel vm12, $0x1, v0;
	v6 =	vadd.s32 v20, v6  }
0x95: {  	v25 =	vld [tilespmem:$0x530];
	v24 =	vsel vm13, $0x1, v0;
	vm14 =	veq.s32 v15, $0x0;
	v6 =	vadd.s32 v22, v6  }
0x96: {  	v27 =	vld [tilespmem:$0x540];
	vm15 =	veq.s32 v17, $0x0;
	v26 =	vsel vm14, $0x1, v0;
	v6 =	vadd.s32 v24, v6  }
0x97: {  	v29 =	vld [tilespmem:$0x550];
	vm4 =	veq.s32 v19, $0x0;
	v28 =	vsel vm15, $0x1, v0;
	v6 =	vadd.s32 v26, v6  }
0x98: {  	v31 =	vld [tilespmem:$0x560];
	vm5 =	veq.s32 v21, $0x0;
	v30 =	vsel vm4, $0x1, v0;
	v6 =	vadd.s32 v28, v6  }
0x99: {  	v33 =	vld [tilespmem:$0x570];
	vm6 =	veq.s32 v23, $0x0;
	v32 =	vsel vm5, $0x1, v0;
	v6 =	vadd.s32 v30, v6  }
0x9a: {  	v35 =	vld [tilespmem:$0x580];
	vm7 =	veq.s32 v25, $0x0;
	v34 =	vsel vm6, $0x1, v0;
	v6 =	vadd.s32 v32, v6  }
0x9b: {  	v37 =	vld [tilespmem:$0x590];
	vm8 =	veq.s32 v27, $0x0;
	v36 =	vsel vm7, $0x1, v0;
	v6 =	vadd.s32 v34, v6  }
0x9c: {  	v39 =	vld [tilespmem:$0x5A0];
	vm9 =	veq.s32 v29, $0x0;
	v38 =	vsel vm8, $0x1, v0;
	v6 =	vadd.s32 v36, v6  }
0x9d: {  	v41 =	vld [tilespmem:$0x5B0];
	vm10 =	veq.s32 v31, $0x0;
	v40 =	vsel vm9, $0x1, v0;
	v6 =	vadd.s32 v38, v6  }
0x9e: {  	v43 =	vld [tilespmem:$0x5C0];
	vm11 =	veq.s32 v33, $0x0;
	v42 =	vsel vm10, $0x1, v0;
	v6 =	vadd.s32 v40, v6  }
0x9f: {  	v45 =	vld [tilespmem:$0x5D0];
	vm12 =	veq.s32 v35, $0x0;
	v44 =	vsel vm11, $0x1, v0;
	v6 =	vadd.s32 v42, v6  }
0xa0: {  	v47 =	vld [tilespmem:$0x5E0];
	vm13 =	veq.s32 v37, $0x0;
	v46 =	vsel vm12, $0x1, v0;
	v6 =	vadd.s32 v44, v6  }
0xa1: {  	v49 =	vld [tilespmem:$0x5F0];
	v48 =	vsel vm13, $0x1, v0;
	vm14 =	veq.s32 v39, $0x0;
	v6 =	vadd.s32 v46, v6  }
0xa2: {  	v51 =	vld [tilespmem:$0x600];
	vm15 =	veq.s32 v41, $0x0;
	v50 =	vsel vm14, $0x1, v0;
	v6 =	vadd.s32 v48, v6  }
0xa3: {  	v53 =	vld [tilespmem:$0x610];
	vm4 =	veq.s32 v43, $0x0;
	v52 =	vsel vm15, $0x1, v0;
	v6 =	vadd.s32 v50, v6  }
0xa4: {  	v55 =	vld [tilespmem:$0x620];
	vm5 =	veq.s32 v45, $0x0;
	v54 =	vsel vm4, $0x1, v0;
	v6 =	vadd.s32 v52, v6  }
0xa5: {  	vm6 =	veq.s32 v47, $0x0;
	v56 =	vsel vm5, $0x1, v0;
	v57 =	vld [tilespmem:$0x630];
	v6 =	vadd.s32 v54, v6  }
0xa6: {  	vm7 =	veq.s32 v49, $0x0;
	v58 =	vsel vm6, $0x1, v0;
	v59 =	vld [tilespmem:$0x640];
	v6 =	vadd.s32 v56, v6  }
0xa7: {  	vm8 =	veq.s32 v51, $0x0;
	v60 =	vsel vm7, $0x1, v0;
	v61 =	vld [tilespmem:$0x650];
	v6 =	vadd.s32 v58, v6  }
0xa8: {  	vm9 =	veq.s32 v53, $0x0;
	v62 =	vsel vm8, $0x1, v0;
	v63 =	vld [tilespmem:$0x660];
	v6 =	vadd.s32 v60, v6  }
0xa9: {  	v9 =	vsel vm9, $0x1, v0;
	vm10 =	veq.s32 v55, $0x0;
	v10 =	vld [tilespmem:$0x670];
	v6 =	vadd.s32 v62, v6  }
0xaa: {  	v11 =	vsel vm10, $0x1, v0;
	vm11 =	veq.s32 v57, $0x0;
	v12 =	vld [tilespmem:$0x680];
	v6 =	vadd.s32 v9, v6  }
0xab: {  	v13 =	vsel vm11, $0x1, v0;
	vm12 =	veq.s32 v59, $0x0;
	v14 =	vld [tilespmem:$0x690];
	v6 =	vadd.s32 v11, v6  }
0xac: {  	v15 =	vsel vm12, $0x1, v0;
	vm13 =	veq.s32 v61, $0x0;
	v16 =	vld [tilespmem:$0x6A0];
	v6 =	vadd.s32 v13, v6  }
0xad: {  	v17 =	vsel vm13, $0x1, v0;
	vm14 =	veq.s32 v63, $0x0;
	v18 =	vld [tilespmem:$0x6B0];
	v6 =	vadd.s32 v15, v6  }
0xae: {  	v19 =	vsel vm14, $0x1, v0;
	vm15 =	veq.s32 v10, $0x0;
	v20 =	vld [tilespmem:$0x6C0];
	v6 =	vadd.s32 v17, v6  }
0xaf: {  	v21 =	vsel vm15, $0x1, v0;
	vm4 =	veq.s32 v12, $0x0;
	v22 =	vld [tilespmem:$0x6D0];
	v6 =	vadd.s32 v19, v6  }
0xb0: {  	v23 =	vsel vm4, $0x1, v0;
	vm5 =	veq.s32 v14, $0x0;
	v24 =	vld [tilespmem:$0x6E0];
	v6 =	vadd.s32 v21, v6  }
0xb1: {  	v25 =	vsel vm5, $0x1, v0;
	vm6 =	veq.s32 v16, $0x0;
	v26 =	vld [tilespmem:$0x6F0];
	v6 =	vadd.s32 v23, v6  }
0xb2: {  	v27 =	vsel vm6, $0x1, v0;
	vm7 =	veq.s32 v18, $0x0;
	v28 =	vld [tilespmem:$0x700];
	v6 =	vadd.s32 v25, v6  }
0xb3: {  	v29 =	vsel vm7, $0x1, v0;
	vm8 =	veq.s32 v20, $0x0;
	v30 =	vld [tilespmem:$0x710];
	v6 =	vadd.s32 v27, v6  }
0xb4: {  	v31 =	vsel vm8, $0x1, v0;
	vm9 =	veq.s32 v22, $0x0;
	v32 =	vld [tilespmem:$0x720];
	v6 =	vadd.s32 v29, v6  }
0xb5: {  	v33 =	vsel vm9, $0x1, v0;
	vm10 =	veq.s32 v24, $0x0;
	v34 =	vld [tilespmem:$0x730];
	v6 =	vadd.s32 v31, v6  }
0xb6: {  	v35 =	vsel vm10, $0x1, v0;
	vm11 =	veq.s32 v26, $0x0;
	v36 =	vld [tilespmem:$0x740];
	v6 =	vadd.s32 v33, v6  }
0xb7: {  	v37 =	vsel vm11, $0x1, v0;
	vm12 =	veq.s32 v28, $0x0;
	v38 =	vld [tilespmem:$0x750];
	v6 =	vadd.s32 v35, v6  }
0xb8: {  	v39 =	vsel vm12, $0x1, v0;
	vm13 =	veq.s32 v30, $0x0;
	v40 =	vld [tilespmem:$0x760];
	v6 =	vadd.s32 v37, v6  }
0xb9: {  	v41 =	vsel vm13, $0x1, v0;
	vm14 =	veq.s32 v32, $0x0;
	v42 =	vld [tilespmem:$0x770];
	v6 =	vadd.s32 v39, v6  }
0xba: {  	v43 =	vsel vm14, $0x1, v0;
	vm15 =	veq.s32 v34, $0x0;
	v44 =	vld [tilespmem:$0x780];
	v6 =	vadd.s32 v41, v6  }
0xbb: {  	v45 =	vsel vm15, $0x1, v0;
	vm4 =	veq.s32 v36, $0x0;
	v46 =	vld [tilespmem:$0x790];
	v6 =	vadd.s32 v43, v6  }
0xbc: {  	v47 =	vsel vm4, $0x1, v0;
	vm5 =	veq.s32 v38, $0x0;
	v48 =	vld [tilespmem:$0x7A0];
	v6 =	vadd.s32 v45, v6  }
0xbd: {  	v49 =	vsel vm5, $0x1, v0;
	vm6 =	veq.s32 v40, $0x0;
	v50 =	vld [tilespmem:$0x7B0];
	v6 =	vadd.s32 v47, v6  }
0xbe: {  	v51 =	vsel vm6, $0x1, v0;
	vm7 =	veq.s32 v42, $0x0;
	v52 =	vld [tilespmem:$0x7C0];
	v6 =	vadd.s32 v49, v6  }
0xbf: {  	v53 =	vsel vm7, $0x1, v0;
	vm8 =	veq.s32 v44, $0x0;
	v54 =	vld [tilespmem:$0x7D0];
	v6 =	vadd.s32 v51, v6  }
0xc0: {  	v55 =	vsel vm8, $0x1, v0;
	vm9 =	veq.s32 v46, $0x0;
	v56 =	vld [tilespmem:$0x7E0];
	v6 =	vadd.s32 v53, v6  }
0xc1: {  	v57 =	vsel vm9, $0x1, v0;
	vm10 =	veq.s32 v48, $0x0;
	v58 =	vld [tilespmem:$0x7F0];
	v6 =	vadd.s32 v55, v6  }
0xc2: {  	v59 =	vsel vm10, $0x1, v0;
	vm11 =	veq.s32 v50, $0x0;
	v6 =	vadd.s32 v57, v6  }
0xc3: {  	v61 =	vsel vm11, $0x1, v0;
	vm12 =	veq.s32 v52, $0x0;
	v60 =	vadd.s32 v59, v6  }
0xc4: {  	v5 =	vsel vm12, $0x1, v0;
	vm13 =	veq.s32 v54, $0x0;
	v4 =	vadd.s32 v61, v60  }
0xc5: {  	v63 =	vsel vm13, $0x1, v0;
	vm14 =	veq.s32 v56, $0x0;
	v62 =	vadd.s32 v5, v4  }
0xc6: {  	v2 =	vsel vm14, $0x1, v0;
	vm15 =	veq.s32 v58, $0x0;
	v1 =	vadd.s32 v63, v62  }
0xc7: {  	v0 =	vsel vm15, $0x1, v0;
	v1 =	vadd.s32 v2, v1  }
0xc8: {  	v0 =	vadd.s32 v0, v1  }
0xc9: {  	v0 =	vcvt.s32.f32 v0;
	_ =	sdelay $0x1  }
0xca: {  	s1 =	sadd.s32 $0x600, s1;
	s31 =	simm.s32 $0x800;
	[tilespmem:$0x800] =	vst v0  }
0xcb: {  	[hbm4b:s1+s2] =	stream.linear.scatter [tilespmem:s31], [sflag:$0x1], $0x80, $0x38;
	[tilespmem:$0x8C0] =	vst v63  }
0xcc: {  	_ =	swait.ge [sflag:s30], $0x80  }
0xcd: {  	[sflag:s30] =	ssyncset.done $0x0  }
0xce: {  	[sflag:s30] =	ssyncadd.s32 $0xFFFFFF80  }
.LBB2_5:
0xcf: {  	_ =	sfence.sel $0x180000  }
0xd0: {  	[bflag:$0x0] =	sbarrier.arrive $0xFFFF  }
0xd1: {  	_ =	strace $0x90000047  }
0xd2: {  	s0 =	sadd.s32 @!p0 $0x100000, s0;
	[bflag:$0x2] =	sbarrier.arrive $0xFFFF  }
0xd3: {  	[sflag:s0] =	ssyncadd.tile.s32 @!p0 $0x1;
	_ =	shalt  }
.Lfunc_end2:
_tile_overlayer_lowered:
.L_overlay_start_2:
0xd4: {  	(tag) =	ssettag $0x2  }
0xd5: {  	s0 =	rddreg [dreg:$0x0];
	s2 =	stileid.u32  }
0xd6: {  	s1 =	rddreg [dreg:$0x1];
	p0 =	sne.s32 s2, $0x0  }
0xd7: {  	s3 =	rddreg [dreg:$0x2];
	[bflag:$0x3] =	sbarrier.arrive $0xFFFF;
	s2 =	simm.s32 @!p0 $0x1C01  }
0xd8: {  	[timem:s3], [sflag:s2] =	dma.local @!p0 [hbm:s0], s1  }
0xd9: {  	s0 =	simm.s32 @!p0 $0x1  }
0xda: {  	_ =	swait.ge @!p0 [sflag:s0], s1  }
0xdb: {  	s1 =	ssub.s32 @!p0 $0x0, s1;
	[sflag:s0] =	ssyncset.done @!p0 $0x0  }
0xdc: {  	[sflag:s0] =	ssyncadd.s32 @!p0 s1  }
0xdd: {  	[bflag:$0x3] =	sbarrier.arrive $0xFFFF  }
0xde: {  	_ =	shalt  }

</sc_bundles>
